<compile_context>
chip_gen: v7x
topology: tpu7x:2x2x1
jax: 0.10.2.dev20260603
libtpu: 0.0.44.dev20260713+nightly
codegen_flags: <defaults>
</compile_context>

<pallas_src>
import functools

import jax
import jax.numpy as jnp
from jax import lax
from jax.experimental import pallas as pl
from jax.experimental.pallas import tpu as pltpu
from jax.experimental.pallas import tpu_sc as plsc

N_NODES = 10000
N_EDGES = 320000
D_IN = 128
D_HID = 64

NUM_CORES = 2
NUM_SUBCORES = 16
NUM_TILES = NUM_CORES * NUM_SUBCORES

CHUNK = 125
CH_PER_TILE = 80
NBUF = 3
LEAD = 2
N_PAD = 10240
ROWS_PER_TILE = N_PAD // NUM_SUBCORES
ZROWS = 80
TAIL_ROWS = N_NODES - 15 * ROWS_PER_TILE


@functools.lru_cache(maxsize=1)
def _make_aggregate():
  mesh = plsc.VectorSubcoreMesh(core_axis_name="c", subcore_axis_name="s",
                                num_cores=NUM_CORES,
                                num_subcores=NUM_SUBCORES)

  @functools.partial(
      pl.kernel,
      out_type=jax.ShapeDtypeStruct((NUM_CORES, N_PAD, D_HID), jnp.float32),
      mesh=mesh,
      scratch_types=[
          pltpu.VMEM((CH_PER_TILE, CHUNK), jnp.int32),
          pltpu.VMEM((CH_PER_TILE, CHUNK), jnp.int32),
          [pltpu.VMEM((CHUNK, D_HID), jnp.float32) for _ in range(NBUF)],
          pltpu.VMEM((ZROWS, D_HID), jnp.float32),
          pltpu.VMEM_SHARED((N_PAD, D_HID), jnp.float32),
          pltpu.VMEM_SHARED((N_NODES, D_HID), jnp.float32),
          [pltpu.SemaphoreType.DMA for _ in range(NBUF)],
          [pltpu.SemaphoreType.DMA for _ in range(NBUF)],
          pltpu.SemaphoreType.DMA,
      ],
      compiler_params=pltpu.CompilerParams(use_tc_tiling_on_sc=False),
  )
  def aggregate(y_hbm, edges_hbm, out_hbm,
                src_v, dst_v, rows, zero_v, acc, ycache, sem_g, sem_s, sem_p):
    c = lax.axis_index("c")
    s = lax.axis_index("s")
    w = c * NUM_SUBCORES + s
    row0 = s * ROWS_PER_TILE

    @pl.when(s < NUM_SUBCORES - 1)
    def _():
      pltpu.async_copy(y_hbm.at[pl.ds(row0, ROWS_PER_TILE), :],
                       ycache.at[pl.ds(row0, ROWS_PER_TILE), :], sem_p)
    @pl.when(s == NUM_SUBCORES - 1)
    def _():
      pltpu.async_copy(y_hbm.at[pl.ds(row0, TAIL_ROWS), :],
                       ycache.at[pl.ds(row0, TAIL_ROWS), :], sem_p)
    pltpu.async_copy(edges_hbm.at[0, pl.ds(w * CH_PER_TILE, CH_PER_TILE), :],
                     src_v, sem_g[0])
    pltpu.async_copy(edges_hbm.at[1, pl.ds(w * CH_PER_TILE, CH_PER_TILE), :],
                     dst_v, sem_g[1])

    def zrow(r, _):
      for q in range(D_HID // 16):
        zero_v[r, pl.ds(q * 16, 16)] = jnp.zeros((16,), jnp.float32)
      return 0
    lax.fori_loop(0, ZROWS, zrow, 0)
    for k in range(ROWS_PER_TILE // ZROWS):
      pltpu.async_copy(zero_v, acc.at[pl.ds(row0 + k * ZROWS, ZROWS), :],
                       sem_s[k % NBUF])
    for k in range(ROWS_PER_TILE // ZROWS):
      pltpu.make_async_copy(zero_v, acc.at[pl.ds(row0 + k * ZROWS, ZROWS), :],
                            sem_s[k % NBUF]).wait()

    pltpu.make_async_copy(
        edges_hbm.at[0, pl.ds(w * CH_PER_TILE, CH_PER_TILE), :],
        src_v, sem_g[0]).wait()
    pltpu.make_async_copy(
        edges_hbm.at[1, pl.ds(w * CH_PER_TILE, CH_PER_TILE), :],
        dst_v, sem_g[1]).wait()
    @pl.when(s < NUM_SUBCORES - 1)
    def _():
      pltpu.make_async_copy(y_hbm.at[pl.ds(row0, ROWS_PER_TILE), :],
                            ycache.at[pl.ds(row0, ROWS_PER_TILE), :],
                            sem_p).wait()
    @pl.when(s == NUM_SUBCORES - 1)
    def _():
      pltpu.make_async_copy(y_hbm.at[pl.ds(row0, TAIL_ROWS), :],
                            ycache.at[pl.ds(row0, TAIL_ROWS), :], sem_p).wait()
    plsc.subcore_barrier()

    def g_issue(j, b):
      pltpu.async_copy(ycache.at[src_v.at[j]], rows[b], sem_g[b])

    def g_wait(j, b):
      pltpu.make_async_copy(ycache.at[src_v.at[j]], rows[b], sem_g[b]).wait()

    def s_issue(j, b):
      pltpu.async_copy(rows[b], acc.at[dst_v.at[j]], sem_s[b], add=True)

    def s_wait(j, b):
      pltpu.make_async_copy(rows[b], acc.at[dst_v.at[j]], sem_s[b]).wait()

    for j in range(LEAD):
      g_issue(j, j % NBUF)

    def body(g, _):
      for b0 in range(NBUF):
        j = g * NBUF + b0
        b = b0
        bg = (b0 + LEAD) % NBUF
        @pl.when(j + LEAD < CH_PER_TILE)
        def _():
          @pl.when(j >= NBUF - LEAD)
          def _():
            s_wait(j - (NBUF - LEAD), bg)
          g_issue(j + LEAD, bg)
        g_wait(j, b)
        s_issue(j, b)
      return 0
    lax.fori_loop(0, CH_PER_TILE // NBUF, body, 0)
    for j in range((CH_PER_TILE // NBUF) * NBUF, CH_PER_TILE):
      g_wait(j, j % NBUF)
      s_issue(j, j % NBUF)
    for j in range(CH_PER_TILE - NBUF, CH_PER_TILE):
      s_wait(j, j % NBUF)

    plsc.subcore_barrier()
    pltpu.sync_copy(acc.at[pl.ds(row0, ROWS_PER_TILE), :],
                    out_hbm.at[c, pl.ds(row0, ROWS_PER_TILE), :])

  return aggregate


def _aggregate(y, edges3):
  return _make_aggregate()(y, edges3)


_BLK = 1000
_GRID = N_NODES // (2 * _BLK)
_NV = N_NODES // 2
_PV = N_PAD // 2


def _mm1_body(x_ref, w_ref, o_ref):
  o_ref[:, :] = jnp.dot(x_ref[:, :], w_ref[:, :],
                        preferred_element_type=jnp.float32)


def _matmul1(x, w1):
  return pl.pallas_call(
      _mm1_body,
      grid=(_GRID,),
      in_specs=[
          pl.BlockSpec((2 * _BLK, D_IN), lambda i: (i, 0)),
          pl.BlockSpec((D_IN, D_HID), lambda i: (0, 0)),
      ],
      out_specs=pl.BlockSpec((2 * _BLK, D_HID), lambda i: (i, 0)),
      out_shape=jax.ShapeDtypeStruct((N_NODES, D_HID), jnp.float32),
  )(x, w1)


def _relu_body(y_ref, pa_ref, pb_ref, b_ref, o_ref):
  o_ref[:, :] = jnp.maximum(
      y_ref[:, :] + pa_ref[0, :, :] + pb_ref[0, :, :] + b_ref[:, :], 0.0)


def _relu_sum(yv, partials, b1):
  pv = partials.reshape(NUM_CORES, _PV, 2 * D_HID)
  b1p = jnp.concatenate([b1, b1]).reshape(1, 2 * D_HID)
  return pl.pallas_call(
      _relu_body,
      grid=(_GRID,),
      in_specs=[
          pl.BlockSpec((_BLK, 2 * D_HID), lambda i: (i, 0)),
          pl.BlockSpec((1, _BLK, 2 * D_HID), lambda i: (0, i, 0)),
          pl.BlockSpec((1, _BLK, 2 * D_HID), lambda i: (1, i, 0)),
          pl.BlockSpec((1, 2 * D_HID), lambda i: (0, 0)),
      ],
      out_specs=pl.BlockSpec((_BLK, 2 * D_HID), lambda i: (i, 0)),
      out_shape=jax.ShapeDtypeStruct((_NV, 2 * D_HID), jnp.float32),
  )(yv, pv, pv, b1p)


def _out_body(h_ref, qa_ref, qb_ref, we_ref, wo_ref, b_ref, o_ref):
  g = h_ref[:, :] + qa_ref[0, :, :] + qb_ref[0, :, :]
  oe = jnp.dot(g, we_ref[:, :], preferred_element_type=jnp.float32) + b_ref[:, :]
  oo = jnp.dot(g, wo_ref[:, :], preferred_element_type=jnp.float32) + b_ref[:, :]
  st = jnp.stack([oe, oo], axis=1)
  o = st.reshape(2 * _BLK, D_IN)
  m = jnp.max(o, axis=1, keepdims=True)
  z = o - m
  o_ref[:, :] = z - jnp.log(jnp.sum(jnp.exp(z), axis=1, keepdims=True))


def _final(hv, partials, w2, b2):
  qv = partials.reshape(NUM_CORES, _PV, 2 * D_HID)
  zeros = jnp.zeros((D_HID, D_IN), jnp.float32)
  w2e = jnp.concatenate([w2, zeros], axis=0)
  w2o = jnp.concatenate([zeros, w2], axis=0)
  return pl.pallas_call(
      _out_body,
      grid=(_GRID,),
      in_specs=[
          pl.BlockSpec((_BLK, 2 * D_HID), lambda i: (i, 0)),
          pl.BlockSpec((1, _BLK, 2 * D_HID), lambda i: (0, i, 0)),
          pl.BlockSpec((1, _BLK, 2 * D_HID), lambda i: (1, i, 0)),
          pl.BlockSpec((D_IN, D_IN), lambda i: (0, 0)),
          pl.BlockSpec((D_IN, D_IN), lambda i: (0, 0)),
          pl.BlockSpec((1, D_IN), lambda i: (0, 0)),
      ],
      out_specs=pl.BlockSpec((2 * _BLK, D_IN), lambda i: (i, 0)),
      out_shape=jax.ShapeDtypeStruct((N_NODES, D_IN), jnp.float32),
  )(hv, qv, qv, w2e, w2o, b2.reshape(1, D_IN))


def kernel(x, edge_index, W1, b1, W2, b2):
  edges3 = edge_index.reshape(2, NUM_TILES * CH_PER_TILE, CHUNK)
  y1 = _matmul1(x, W1)
  y1v = y1.reshape(_NV, 2 * D_HID)
  p1 = _aggregate(y1v.reshape(N_NODES, D_HID), edges3)
  hv = _relu_sum(y1v, p1, b1)
  p2 = _aggregate(hv.reshape(N_NODES, D_HID), edges3)
  return _final(hv, p2, W2, b2)

# --- scband reference (transcript-rebuilt; emitter-appended) ---
"""Pipeline reference for scband-ginmodel-4947802325325 (READ-ONLY COPY).

The authoritative reference and input builder live on the scoring server;
editing this copy changes nothing except your own understanding.
"""

import jax, jax.numpy as jnp
import numpy as np

N = 10000
E = 320000
D = 128
H = 64

def setup_inputs(seed: int = 0) -> dict:
    key = jax.random.key(seed)
    k1, k2, k3, k4 = jax.random.split(key, 4)
    x = jax.random.normal(k1, (N, D), dtype=jnp.float32)
    edge_index = jax.random.randint(k2, (2, E), 0, N, dtype=jnp.int32)
    # Learned parameters: layer 0 Linear(in=128, out=64), layer 1 Linear(in=64, out=128)
    W1 = jax.random.normal(k3, (D, H), dtype=jnp.float32) * (1.0 / np.sqrt(D))
    b1 = jnp.zeros((H,), dtype=jnp.float32)
    W2 = jax.random.normal(k4, (H, D), dtype=jnp.float32) * (1.0 / np.sqrt(H))
    b2 = jnp.zeros((D,), dtype=jnp.float32)
    return {"x": x, "edge_index": edge_index, "W1": W1, "b1": b1, "W2": W2, "b2": b2}

def gin_conv(x, src, dst, W, b, num_nodes):
    # GINConv with eps=0: out = nn((1+eps)*x + sum_{j in N(i)} x_j)
    msgs = jnp.take(x, src, axis=0)                      # gather source features
    aggr = jax.ops.segment_sum(msgs, dst, num_segments=num_nodes)  # scatter-add at dst
    return (x + aggr) @ W + b

def reference(x, edge_index, W1, b1, W2, b2):
    src = edge_index[0]
    dst = edge_index[1]
    h = gin_conv(x, src, dst, W1, b1, N)
    h = jax.nn.relu(h)
    out = gin_conv(h, src, dst, W2, b2, N)
    return jax.nn.log_softmax(out, axis=1)

if __name__ == "__main__":
    import jax
    _d = setup_inputs()
    print(jax.jit(kernel)(*tuple(_d.values())))

</pallas_src>

<mosaic_0001>
#map = affine_map<(d0, d1) -> (0, 0)>
#map1 = affine_map<(d0, d1) -> (0, 0, 0)>
module attributes {stable_mosaic.version = 14 : i64} {
  func.func @aggregate(%arg0: i32, %arg1: i32, %arg2: memref<10000x64xf32, #tpu.memory_space<hbm>>, %arg3: memref<2x2560x125xi32, #tpu.memory_space<hbm>>, %arg4: memref<2x10240x64xf32, #tpu.memory_space<hbm>>, %arg5: memref<80x125xi32, #tpu.memory_space<vmem>>, %arg6: memref<80x125xi32, #tpu.memory_space<vmem>>, %arg7: memref<125x64xf32, #tpu.memory_space<vmem>>, %arg8: memref<125x64xf32, #tpu.memory_space<vmem>>, %arg9: memref<125x64xf32, #tpu.memory_space<vmem>>, %arg10: memref<80x64xf32, #tpu.memory_space<vmem>>, %arg11: memref<10240x64xf32, #tpu.memory_space<vmem_shared>>, %arg12: memref<10000x64xf32, #tpu.memory_space<vmem_shared>>, %arg13: memref<!tpu.dma_semaphore, #tpu.memory_space<semaphore_mem>>, %arg14: memref<!tpu.dma_semaphore, #tpu.memory_space<semaphore_mem>>, %arg15: memref<!tpu.dma_semaphore, #tpu.memory_space<semaphore_mem>>, %arg16: memref<!tpu.dma_semaphore, #tpu.memory_space<semaphore_mem>>, %arg17: memref<!tpu.dma_semaphore, #tpu.memory_space<semaphore_mem>>, %arg18: memref<!tpu.dma_semaphore, #tpu.memory_space<semaphore_mem>>, %arg19: memref<!tpu.dma_semaphore, #tpu.memory_space<semaphore_mem>>) attributes {dimension_semantics = [#tpu.dimension_semantics<core_parallel>, #tpu.dimension_semantics<subcore_parallel>], iteration_bounds = array<i64: 2, 16>, scalar_prefetch = 0 : i64, scratch_operands = 15 : i64, tpu.core_type = #tpu.core_type<sc_vector_subcore>, window_params = [{transform_indices = #map}, {transform_indices = #map1}, {transform_indices = #map1}]} {
    %mul3A = arith.constant 16 : i32
    %mul3A_0 = arith.muli %arg0, %mul3A : i32
    %add3A = arith.addi %mul3A_0, %arg1 : i32
    %mul3A_1 = arith.constant 640 : i32
    %mul3A_2 = arith.muli %arg1, %mul3A_1 : i32
    %lt3A = arith.constant 15 : i32
    %lt3A_3 = arith.cmpi slt, %arg1, %lt3A : i32
    %convert_element_type3A = arith.extui %lt3A_3 : i1 to i32
    %cond3A = arith.constant 0 : i32
    %cond3A_4 = arith.cmpi ne, %convert_element_type3A, %cond3A : i32
    scf.if %cond3A_4 {
      %dma_start3A_226 = arith.constant 0 : i32
      %dma_start3A_227 = tpu.memref_slice %arg12[%mul3A_2, %dma_start3A_226] : memref<10000x64xf32, #tpu.memory_space<vmem_shared>> -> memref<640x64xf32, #tpu.memory_space<vmem_shared>>
      %dma_start3A_228 = arith.constant 0 : i32
      %dma_start3A_229 = tpu.memref_slice %arg2[%mul3A_2, %dma_start3A_228] : memref<10000x64xf32, #tpu.memory_space<hbm>> -> memref<640x64xf32, #tpu.memory_space<hbm>>
      tpu.enqueue_dma source(%dma_start3A_229 : memref<640x64xf32, #tpu.memory_space<hbm>>) target(%dma_start3A_227 : memref<640x64xf32, #tpu.memory_space<vmem_shared>>) target_semaphore(%arg19 : memref<!tpu.dma_semaphore, #tpu.memory_space<semaphore_mem>>)
    } else {
    }
    %eq3A = arith.constant 15 : i32
    %eq3A_5 = arith.cmpi eq, %arg1, %eq3A : i32
    %convert_element_type3A_6 = arith.extui %eq3A_5 : i1 to i32
    %cond3A_7 = arith.constant 0 : i32
    %cond3A_8 = arith.cmpi ne, %convert_element_type3A_6, %cond3A_7 : i32
    scf.if %cond3A_8 {
      %dma_start3A_226 = arith.constant 0 : i32
      %dma_start3A_227 = tpu.memref_slice %arg12[%mul3A_2, %dma_start3A_226] : memref<10000x64xf32, #tpu.memory_space<vmem_shared>> -> memref<400x64xf32, #tpu.memory_space<vmem_shared>>
      %dma_start3A_228 = arith.constant 0 : i32
      %dma_start3A_229 = tpu.memref_slice %arg2[%mul3A_2, %dma_start3A_228] : memref<10000x64xf32, #tpu.memory_space<hbm>> -> memref<400x64xf32, #tpu.memory_space<hbm>>
      tpu.enqueue_dma source(%dma_start3A_229 : memref<400x64xf32, #tpu.memory_space<hbm>>) target(%dma_start3A_227 : memref<400x64xf32, #tpu.memory_space<vmem_shared>>) target_semaphore(%arg19 : memref<!tpu.dma_semaphore, #tpu.memory_space<semaphore_mem>>)
    } else {
    }
    %mul3A_9 = arith.constant 80 : i32
    %mul3A_10 = arith.muli %add3A, %mul3A_9 : i32
    %dma_start3A = arith.constant 0 : i32
    %dma_start3A_11 = arith.constant 0 : i32
    %dma_start3A_12 = tpu.memref_slice %arg3[%dma_start3A, %mul3A_10, %dma_start3A_11] : memref<2x2560x125xi32, #tpu.memory_space<hbm>> -> memref<1x80x125xi32, #tpu.memory_space<hbm>>
    %dma_start3A_13 = tpu.memref_squeeze %dma_start3A_12 : memref<1x80x125xi32, #tpu.memory_space<hbm>> -> memref<80x125xi32, #tpu.memory_space<hbm>>
    %dma_start3A_14 = arith.constant 0 : i32
    %dma_start3A_15 = tpu.memref_slice %arg3[%dma_start3A, %mul3A_10, %dma_start3A_14] : memref<2x2560x125xi32, #tpu.memory_space<hbm>> -> memref<1x80x125xi32, #tpu.memory_space<hbm>>
    %dma_start3A_16 = tpu.memref_squeeze %dma_start3A_15 : memref<1x80x125xi32, #tpu.memory_space<hbm>> -> memref<80x125xi32, #tpu.memory_space<hbm>>
    tpu.enqueue_dma source(%dma_start3A_16 : memref<80x125xi32, #tpu.memory_space<hbm>>) target(%arg5 : memref<80x125xi32, #tpu.memory_space<vmem>>) target_semaphore(%arg13 : memref<!tpu.dma_semaphore, #tpu.memory_space<semaphore_mem>>)
    %mul3A_17 = arith.constant 80 : i32
    %mul3A_18 = arith.muli %add3A, %mul3A_17 : i32
    %dma_start3A_19 = arith.constant 1 : i32
    %dma_start3A_20 = arith.constant 0 : i32
    %dma_start3A_21 = tpu.memref_slice %arg3[%dma_start3A_19, %mul3A_18, %dma_start3A_20] : memref<2x2560x125xi32, #tpu.memory_space<hbm>> -> memref<1x80x125xi32, #tpu.memory_space<hbm>>
    %dma_start3A_22 = tpu.memref_squeeze %dma_start3A_21 : memref<1x80x125xi32, #tpu.memory_space<hbm>> -> memref<80x125xi32, #tpu.memory_space<hbm>>
    %dma_start3A_23 = arith.constant 0 : i32
    %dma_start3A_24 = tpu.memref_slice %arg3[%dma_start3A_19, %mul3A_18, %dma_start3A_23] : memref<2x2560x125xi32, #tpu.memory_space<hbm>> -> memref<1x80x125xi32, #tpu.memory_space<hbm>>
    %dma_start3A_25 = tpu.memref_squeeze %dma_start3A_24 : memref<1x80x125xi32, #tpu.memory_space<hbm>> -> memref<80x125xi32, #tpu.memory_space<hbm>>
    tpu.enqueue_dma source(%dma_start3A_25 : memref<80x125xi32, #tpu.memory_space<hbm>>) target(%arg6 : memref<80x125xi32, #tpu.memory_space<vmem>>) target_semaphore(%arg14 : memref<!tpu.dma_semaphore, #tpu.memory_space<semaphore_mem>>)
    %scan3A = arith.constant 0 : i32
    %scan3A_26 = arith.constant 0 : i32
    %scan3A_27 = arith.constant 80 : i32
    %scan3A_28 = arith.addi %scan3A_26, %scan3A_27 : i32
    %scan3A_29 = arith.constant 1 : i32
    %scan3A_30 = scf.for %scan3A_226 = %scan3A_26 to %scan3A_28 step %scan3A_29 iter_args(%scan3A_227 = %scan3A) -> (i32)  : i32 {
      %broadcast_in_dim3A = arith.constant 0.000000e+00 : f32
      %broadcast_in_dim3A_228 = vector.broadcast %broadcast_in_dim3A : f32 to vector<16xf32>
      %swap3A = arith.index_cast %scan3A_226 : i32 to index
      %swap3A_229 = arith.constant 0 : index
      %swap3A_230 = tpu.vector_load %arg10[%swap3A, %swap3A_229] {strides = array<i32>} : memref<80x64xf32, #tpu.memory_space<vmem>>, vector<1x16xf32>,
      %swap3A_231 = vector.shape_cast %swap3A_230 : vector<1x16xf32> to vector<16xf32>
      %swap3A_232 = vector.shape_cast %broadcast_in_dim3A_228 : vector<16xf32> to vector<1x16xf32>
      tpu.vector_store %arg10[%swap3A, %swap3A_229], %swap3A_232 {strides = array<i32>} : memref<80x64xf32, #tpu.memory_space<vmem>>, vector<1x16xf32>,
      %broadcast_in_dim3A_233 = arith.constant 0.000000e+00 : f32
      %broadcast_in_dim3A_234 = vector.broadcast %broadcast_in_dim3A_233 : f32 to vector<16xf32>
      %swap3A_235 = arith.index_cast %scan3A_226 : i32 to index
      %swap3A_236 = arith.constant 16 : index
      %swap3A_237 = tpu.vector_load %arg10[%swap3A_235, %swap3A_236] {strides = array<i32>} : memref<80x64xf32, #tpu.memory_space<vmem>>, vector<1x16xf32>,
      %swap3A_238 = vector.shape_cast %swap3A_237 : vector<1x16xf32> to vector<16xf32>
      %swap3A_239 = vector.shape_cast %broadcast_in_dim3A_234 : vector<16xf32> to vector<1x16xf32>
      tpu.vector_store %arg10[%swap3A_235, %swap3A_236], %swap3A_239 {strides = array<i32>} : memref<80x64xf32, #tpu.memory_space<vmem>>, vector<1x16xf32>,
      %broadcast_in_dim3A_240 = arith.constant 0.000000e+00 : f32
      %broadcast_in_dim3A_241 = vector.broadcast %broadcast_in_dim3A_240 : f32 to vector<16xf32>
      %swap3A_242 = arith.index_cast %scan3A_226 : i32 to index
      %swap3A_243 = arith.constant 32 : index
      %swap3A_244 = tpu.vector_load %arg10[%swap3A_242, %swap3A_243] {strides = array<i32>} : memref<80x64xf32, #tpu.memory_space<vmem>>, vector<1x16xf32>,
      %swap3A_245 = vector.shape_cast %swap3A_244 : vector<1x16xf32> to vector<16xf32>
      %swap3A_246 = vector.shape_cast %broadcast_in_dim3A_241 : vector<16xf32> to vector<1x16xf32>
      tpu.vector_store %arg10[%swap3A_242, %swap3A_243], %swap3A_246 {strides = array<i32>} : memref<80x64xf32, #tpu.memory_space<vmem>>, vector<1x16xf32>,
      %broadcast_in_dim3A_247 = arith.constant 0.000000e+00 : f32
      %broadcast_in_dim3A_248 = vector.broadcast %broadcast_in_dim3A_247 : f32 to vector<16xf32>
      %swap3A_249 = arith.index_cast %scan3A_226 : i32 to index
      %swap3A_250 = arith.constant 48 : index
      %swap3A_251 = tpu.vector_load %arg10[%swap3A_249, %swap3A_250] {strides = array<i32>} : memref<80x64xf32, #tpu.memory_space<vmem>>, vector<1x16xf32>,
      %swap3A_252 = vector.shape_cast %swap3A_251 : vector<1x16xf32> to vector<16xf32>
      %swap3A_253 = vector.shape_cast %broadcast_in_dim3A_248 : vector<16xf32> to vector<1x16xf32>
      tpu.vector_store %arg10[%swap3A_249, %swap3A_250], %swap3A_253 {strides = array<i32>} : memref<80x64xf32, #tpu.memory_space<vmem>>, vector<1x16xf32>,
      %scan3A_254 = arith.constant 0 : i32
      scf.yield %scan3A_254 : i32
    }
    %scan3A_31 = arith.constant 80 : i32
    %add3A_32 = arith.constant 0 : i32
    %add3A_33 = arith.addi %mul3A_2, %add3A_32 : i32
    %dma_start3A_34 = arith.constant 0 : i32
    %dma_start3A_35 = tpu.memref_slice %arg11[%add3A_33, %dma_start3A_34] : memref<10240x64xf32, #tpu.memory_space<vmem_shared>> -> memref<80x64xf32, #tpu.memory_space<vmem_shared>>
    %dma_start3A_36 = arith.constant 0 : i32
    %dma_start3A_37 = tpu.memref_slice %arg11[%add3A_33, %dma_start3A_36] : memref<10240x64xf32, #tpu.memory_space<vmem_shared>> -> memref<80x64xf32, #tpu.memory_space<vmem_shared>>
    tpu.enqueue_dma source(%arg10 : memref<80x64xf32, #tpu.memory_space<vmem>>) target(%dma_start3A_37 : memref<80x64xf32, #tpu.memory_space<vmem_shared>>) target_semaphore(%arg16 : memref<!tpu.dma_semaphore, #tpu.memory_space<semaphore_mem>>)
    %add3A_38 = arith.constant 80 : i32
    %add3A_39 = arith.addi %mul3A_2, %add3A_38 : i32
    %dma_start3A_40 = arith.constant 0 : i32
    %dma_start3A_41 = tpu.memref_slice %arg11[%add3A_39, %dma_start3A_40] : memref<10240x64xf32, #tpu.memory_space<vmem_shared>> -> memref<80x64xf32, #tpu.memory_space<vmem_shared>>
    %dma_start3A_42 = arith.constant 0 : i32
    %dma_start3A_43 = tpu.memref_slice %arg11[%add3A_39, %dma_start3A_42] : memref<10240x64xf32, #tpu.memory_space<vmem_shared>> -> memref<80x64xf32, #tpu.memory_space<vmem_shared>>
    tpu.enqueue_dma source(%arg10 : memref<80x64xf32, #tpu.memory_space<vmem>>) target(%dma_start3A_43 : memref<80x64xf32, #tpu.memory_space<vmem_shared>>) target_semaphore(%arg17 : memref<!tpu.dma_semaphore, #tpu.memory_space<semaphore_mem>>)
    %add3A_44 = arith.constant 160 : i32
    %add3A_45 = arith.addi %mul3A_2, %add3A_44 : i32
    %dma_start3A_46 = arith.constant 0 : i32
    %dma_start3A_47 = tpu.memref_slice %arg11[%add3A_45, %dma_start3A_46] : memref<10240x64xf32, #tpu.memory_space<vmem_shared>> -> memref<80x64xf32, #tpu.memory_space<vmem_shared>>
    %dma_start3A_48 = arith.constant 0 : i32
    %dma_start3A_49 = tpu.memref_slice %arg11[%add3A_45, %dma_start3A_48] : memref<10240x64xf32, #tpu.memory_space<vmem_shared>> -> memref<80x64xf32, #tpu.memory_space<vmem_shared>>
    tpu.enqueue_dma source(%arg10 : memref<80x64xf32, #tpu.memory_space<vmem>>) target(%dma_start3A_49 : memref<80x64xf32, #tpu.memory_space<vmem_shared>>) target_semaphore(%arg18 : memref<!tpu.dma_semaphore, #tpu.memory_space<semaphore_mem>>)
    %add3A_50 = arith.constant 240 : i32
    %add3A_51 = arith.addi %mul3A_2, %add3A_50 : i32
    %dma_start3A_52 = arith.constant 0 : i32
    %dma_start3A_53 = tpu.memref_slice %arg11[%add3A_51, %dma_start3A_52] : memref<10240x64xf32, #tpu.memory_space<vmem_shared>> -> memref<80x64xf32, #tpu.memory_space<vmem_shared>>
    %dma_start3A_54 = arith.constant 0 : i32
    %dma_start3A_55 = tpu.memref_slice %arg11[%add3A_51, %dma_start3A_54] : memref<10240x64xf32, #tpu.memory_space<vmem_shared>> -> memref<80x64xf32, #tpu.memory_space<vmem_shared>>
    tpu.enqueue_dma source(%arg10 : memref<80x64xf32, #tpu.memory_space<vmem>>) target(%dma_start3A_55 : memref<80x64xf32, #tpu.memory_space<vmem_shared>>) target_semaphore(%arg16 : memref<!tpu.dma_semaphore, #tpu.memory_space<semaphore_mem>>)
    %add3A_56 = arith.constant 320 : i32
    %add3A_57 = arith.addi %mul3A_2, %add3A_56 : i32
    %dma_start3A_58 = arith.constant 0 : i32
    %dma_start3A_59 = tpu.memref_slice %arg11[%add3A_57, %dma_start3A_58] : memref<10240x64xf32, #tpu.memory_space<vmem_shared>> -> memref<80x64xf32, #tpu.memory_space<vmem_shared>>
    %dma_start3A_60 = arith.constant 0 : i32
    %dma_start3A_61 = tpu.memref_slice %arg11[%add3A_57, %dma_start3A_60] : memref<10240x64xf32, #tpu.memory_space<vmem_shared>> -> memref<80x64xf32, #tpu.memory_space<vmem_shared>>
    tpu.enqueue_dma source(%arg10 : memref<80x64xf32, #tpu.memory_space<vmem>>) target(%dma_start3A_61 : memref<80x64xf32, #tpu.memory_space<vmem_shared>>) target_semaphore(%arg17 : memref<!tpu.dma_semaphore, #tpu.memory_space<semaphore_mem>>)
    %add3A_62 = arith.constant 400 : i32
    %add3A_63 = arith.addi %mul3A_2, %add3A_62 : i32
    %dma_start3A_64 = arith.constant 0 : i32
    %dma_start3A_65 = tpu.memref_slice %arg11[%add3A_63, %dma_start3A_64] : memref<10240x64xf32, #tpu.memory_space<vmem_shared>> -> memref<80x64xf32, #tpu.memory_space<vmem_shared>>
    %dma_start3A_66 = arith.constant 0 : i32
    %dma_start3A_67 = tpu.memref_slice %arg11[%add3A_63, %dma_start3A_66] : memref<10240x64xf32, #tpu.memory_space<vmem_shared>> -> memref<80x64xf32, #tpu.memory_space<vmem_shared>>
    tpu.enqueue_dma source(%arg10 : memref<80x64xf32, #tpu.memory_space<vmem>>) target(%dma_start3A_67 : memref<80x64xf32, #tpu.memory_space<vmem_shared>>) target_semaphore(%arg18 : memref<!tpu.dma_semaphore, #tpu.memory_space<semaphore_mem>>)
    %add3A_68 = arith.constant 480 : i32
    %add3A_69 = arith.addi %mul3A_2, %add3A_68 : i32
    %dma_start3A_70 = arith.constant 0 : i32
    %dma_start3A_71 = tpu.memref_slice %arg11[%add3A_69, %dma_start3A_70] : memref<10240x64xf32, #tpu.memory_space<vmem_shared>> -> memref<80x64xf32, #tpu.memory_space<vmem_shared>>
    %dma_start3A_72 = arith.constant 0 : i32
    %dma_start3A_73 = tpu.memref_slice %arg11[%add3A_69, %dma_start3A_72] : memref<10240x64xf32, #tpu.memory_space<vmem_shared>> -> memref<80x64xf32, #tpu.memory_space<vmem_shared>>
    tpu.enqueue_dma source(%arg10 : memref<80x64xf32, #tpu.memory_space<vmem>>) target(%dma_start3A_73 : memref<80x64xf32, #tpu.memory_space<vmem_shared>>) target_semaphore(%arg16 : memref<!tpu.dma_semaphore, #tpu.memory_space<semaphore_mem>>)
    %add3A_74 = arith.constant 560 : i32
    %add3A_75 = arith.addi %mul3A_2, %add3A_74 : i32
    %dma_start3A_76 = arith.constant 0 : i32
    %dma_start3A_77 = tpu.memref_slice %arg11[%add3A_75, %dma_start3A_76] : memref<10240x64xf32, #tpu.memory_space<vmem_shared>> -> memref<80x64xf32, #tpu.memory_space<vmem_shared>>
    %dma_start3A_78 = arith.constant 0 : i32
    %dma_start3A_79 = tpu.memref_slice %arg11[%add3A_75, %dma_start3A_78] : memref<10240x64xf32, #tpu.memory_space<vmem_shared>> -> memref<80x64xf32, #tpu.memory_space<vmem_shared>>
    tpu.enqueue_dma source(%arg10 : memref<80x64xf32, #tpu.memory_space<vmem>>) target(%dma_start3A_79 : memref<80x64xf32, #tpu.memory_space<vmem_shared>>) target_semaphore(%arg17 : memref<!tpu.dma_semaphore, #tpu.memory_space<semaphore_mem>>)
    %add3A_80 = arith.constant 0 : i32
    %add3A_81 = arith.addi %mul3A_2, %add3A_80 : i32
    %dma_wait3A = arith.constant 0 : i32
    %dma_wait3A_82 = tpu.memref_slice %arg11[%add3A_81, %dma_wait3A] : memref<10240x64xf32, #tpu.memory_space<vmem_shared>> -> memref<80x64xf32, #tpu.memory_space<vmem_shared>>
    %dma_wait3A_83 = arith.constant 0 : i32
    %dma_wait3A_84 = tpu.memref_slice %arg11[%add3A_81, %dma_wait3A_83] : memref<10240x64xf32, #tpu.memory_space<vmem_shared>> -> memref<80x64xf32, #tpu.memory_space<vmem_shared>>
    tpu.wait_dma2 semaphore(%arg16 : memref<!tpu.dma_semaphore, #tpu.memory_space<semaphore_mem>>) src(%arg10 : memref<80x64xf32, #tpu.memory_space<vmem>>) dst(%dma_wait3A_84 : memref<80x64xf32, #tpu.memory_space<vmem_shared>>)
    %add3A_85 = arith.constant 80 : i32
    %add3A_86 = arith.addi %mul3A_2, %add3A_85 : i32
    %dma_wait3A_87 = arith.constant 0 : i32
    %dma_wait3A_88 = tpu.memref_slice %arg11[%add3A_86, %dma_wait3A_87] : memref<10240x64xf32, #tpu.memory_space<vmem_shared>> -> memref<80x64xf32, #tpu.memory_space<vmem_shared>>
    %dma_wait3A_89 = arith.constant 0 : i32
    %dma_wait3A_90 = tpu.memref_slice %arg11[%add3A_86, %dma_wait3A_89] : memref<10240x64xf32, #tpu.memory_space<vmem_shared>> -> memref<80x64xf32, #tpu.memory_space<vmem_shared>>
    tpu.wait_dma2 semaphore(%arg17 : memref<!tpu.dma_semaphore, #tpu.memory_space<semaphore_mem>>) src(%arg10 : memref<80x64xf32, #tpu.memory_space<vmem>>) dst(%dma_wait3A_90 : memref<80x64xf32, #tpu.memory_space<vmem_shared>>)
    %add3A_91 = arith.constant 160 : i32
    %add3A_92 = arith.addi %mul3A_2, %add3A_91 : i32
    %dma_wait3A_93 = arith.constant 0 : i32
    %dma_wait3A_94 = tpu.memref_slice %arg11[%add3A_92, %dma_wait3A_93] : memref<10240x64xf32, #tpu.memory_space<vmem_shared>> -> memref<80x64xf32, #tpu.memory_space<vmem_shared>>
    %dma_wait3A_95 = arith.constant 0 : i32
    %dma_wait3A_96 = tpu.memref_slice %arg11[%add3A_92, %dma_wait3A_95] : memref<10240x64xf32, #tpu.memory_space<vmem_shared>> -> memref<80x64xf32, #tpu.memory_space<vmem_shared>>
    tpu.wait_dma2 semaphore(%arg18 : memref<!tpu.dma_semaphore, #tpu.memory_space<semaphore_mem>>) src(%arg10 : memref<80x64xf32, #tpu.memory_space<vmem>>) dst(%dma_wait3A_96 : memref<80x64xf32, #tpu.memory_space<vmem_shared>>)
    %add3A_97 = arith.constant 240 : i32
    %add3A_98 = arith.addi %mul3A_2, %add3A_97 : i32
    %dma_wait3A_99 = arith.constant 0 : i32
    %dma_wait3A_100 = tpu.memref_slice %arg11[%add3A_98, %dma_wait3A_99] : memref<10240x64xf32, #tpu.memory_space<vmem_shared>> -> memref<80x64xf32, #tpu.memory_space<vmem_shared>>
    %dma_wait3A_101 = arith.constant 0 : i32
    %dma_wait3A_102 = tpu.memref_slice %arg11[%add3A_98, %dma_wait3A_101] : memref<10240x64xf32, #tpu.memory_space<vmem_shared>> -> memref<80x64xf32, #tpu.memory_space<vmem_shared>>
    tpu.wait_dma2 semaphore(%arg16 : memref<!tpu.dma_semaphore, #tpu.memory_space<semaphore_mem>>) src(%arg10 : memref<80x64xf32, #tpu.memory_space<vmem>>) dst(%dma_wait3A_102 : memref<80x64xf32, #tpu.memory_space<vmem_shared>>)
    %add3A_103 = arith.constant 320 : i32
    %add3A_104 = arith.addi %mul3A_2, %add3A_103 : i32
    %dma_wait3A_105 = arith.constant 0 : i32
    %dma_wait3A_106 = tpu.memref_slice %arg11[%add3A_104, %dma_wait3A_105] : memref<10240x64xf32, #tpu.memory_space<vmem_shared>> -> memref<80x64xf32, #tpu.memory_space<vmem_shared>>
    %dma_wait3A_107 = arith.constant 0 : i32
    %dma_wait3A_108 = tpu.memref_slice %arg11[%add3A_104, %dma_wait3A_107] : memref<10240x64xf32, #tpu.memory_space<vmem_shared>> -> memref<80x64xf32, #tpu.memory_space<vmem_shared>>
    tpu.wait_dma2 semaphore(%arg17 : memref<!tpu.dma_semaphore, #tpu.memory_space<semaphore_mem>>) src(%arg10 : memref<80x64xf32, #tpu.memory_space<vmem>>) dst(%dma_wait3A_108 : memref<80x64xf32, #tpu.memory_space<vmem_shared>>)
    %add3A_109 = arith.constant 400 : i32
    %add3A_110 = arith.addi %mul3A_2, %add3A_109 : i32
    %dma_wait3A_111 = arith.constant 0 : i32
    %dma_wait3A_112 = tpu.memref_slice %arg11[%add3A_110, %dma_wait3A_111] : memref<10240x64xf32, #tpu.memory_space<vmem_shared>> -> memref<80x64xf32, #tpu.memory_space<vmem_shared>>
    %dma_wait3A_113 = arith.constant 0 : i32
    %dma_wait3A_114 = tpu.memref_slice %arg11[%add3A_110, %dma_wait3A_113] : memref<10240x64xf32, #tpu.memory_space<vmem_shared>> -> memref<80x64xf32, #tpu.memory_space<vmem_shared>>
    tpu.wait_dma2 semaphore(%arg18 : memref<!tpu.dma_semaphore, #tpu.memory_space<semaphore_mem>>) src(%arg10 : memref<80x64xf32, #tpu.memory_space<vmem>>) dst(%dma_wait3A_114 : memref<80x64xf32, #tpu.memory_space<vmem_shared>>)
    %add3A_115 = arith.constant 480 : i32
    %add3A_116 = arith.addi %mul3A_2, %add3A_115 : i32
    %dma_wait3A_117 = arith.constant 0 : i32
    %dma_wait3A_118 = tpu.memref_slice %arg11[%add3A_116, %dma_wait3A_117] : memref<10240x64xf32, #tpu.memory_space<vmem_shared>> -> memref<80x64xf32, #tpu.memory_space<vmem_shared>>
    %dma_wait3A_119 = arith.constant 0 : i32
    %dma_wait3A_120 = tpu.memref_slice %arg11[%add3A_116, %dma_wait3A_119] : memref<10240x64xf32, #tpu.memory_space<vmem_shared>> -> memref<80x64xf32, #tpu.memory_space<vmem_shared>>
    tpu.wait_dma2 semaphore(%arg16 : memref<!tpu.dma_semaphore, #tpu.memory_space<semaphore_mem>>) src(%arg10 : memref<80x64xf32, #tpu.memory_space<vmem>>) dst(%dma_wait3A_120 : memref<80x64xf32, #tpu.memory_space<vmem_shared>>)
    %add3A_121 = arith.constant 560 : i32
    %add3A_122 = arith.addi %mul3A_2, %add3A_121 : i32
    %dma_wait3A_123 = arith.constant 0 : i32
    %dma_wait3A_124 = tpu.memref_slice %arg11[%add3A_122, %dma_wait3A_123] : memref<10240x64xf32, #tpu.memory_space<vmem_shared>> -> memref<80x64xf32, #tpu.memory_space<vmem_shared>>
    %dma_wait3A_125 = arith.constant 0 : i32
    %dma_wait3A_126 = tpu.memref_slice %arg11[%add3A_122, %dma_wait3A_125] : memref<10240x64xf32, #tpu.memory_space<vmem_shared>> -> memref<80x64xf32, #tpu.memory_space<vmem_shared>>
    tpu.wait_dma2 semaphore(%arg17 : memref<!tpu.dma_semaphore, #tpu.memory_space<semaphore_mem>>) src(%arg10 : memref<80x64xf32, #tpu.memory_space<vmem>>) dst(%dma_wait3A_126 : memref<80x64xf32, #tpu.memory_space<vmem_shared>>)
    %mul3A_127 = arith.constant 80 : i32
    %mul3A_128 = arith.muli %add3A, %mul3A_127 : i32
    %dma_wait3A_129 = arith.constant 0 : i32
    %dma_wait3A_130 = arith.constant 0 : i32
    %dma_wait3A_131 = tpu.memref_slice %arg3[%dma_wait3A_129, %mul3A_128, %dma_wait3A_130] : memref<2x2560x125xi32, #tpu.memory_space<hbm>> -> memref<1x80x125xi32, #tpu.memory_space<hbm>>
    %dma_wait3A_132 = tpu.memref_squeeze %dma_wait3A_131 : memref<1x80x125xi32, #tpu.memory_space<hbm>> -> memref<80x125xi32, #tpu.memory_space<hbm>>
    %dma_wait3A_133 = arith.constant 0 : i32
    %dma_wait3A_134 = tpu.memref_slice %arg3[%dma_wait3A_129, %mul3A_128, %dma_wait3A_133] : memref<2x2560x125xi32, #tpu.memory_space<hbm>> -> memref<1x80x125xi32, #tpu.memory_space<hbm>>
    %dma_wait3A_135 = tpu.memref_squeeze %dma_wait3A_134 : memref<1x80x125xi32, #tpu.memory_space<hbm>> -> memref<80x125xi32, #tpu.memory_space<hbm>>
    tpu.wait_dma2 semaphore(%arg13 : memref<!tpu.dma_semaphore, #tpu.memory_space<semaphore_mem>>) src(%dma_wait3A_135 : memref<80x125xi32, #tpu.memory_space<hbm>>) dst(%arg5 : memref<80x125xi32, #tpu.memory_space<vmem>>)
    %mul3A_136 = arith.constant 80 : i32
    %mul3A_137 = arith.muli %add3A, %mul3A_136 : i32
    %dma_wait3A_138 = arith.constant 1 : i32
    %dma_wait3A_139 = arith.constant 0 : i32
    %dma_wait3A_140 = tpu.memref_slice %arg3[%dma_wait3A_138, %mul3A_137, %dma_wait3A_139] : memref<2x2560x125xi32, #tpu.memory_space<hbm>> -> memref<1x80x125xi32, #tpu.memory_space<hbm>>
    %dma_wait3A_141 = tpu.memref_squeeze %dma_wait3A_140 : memref<1x80x125xi32, #tpu.memory_space<hbm>> -> memref<80x125xi32, #tpu.memory_space<hbm>>
    %dma_wait3A_142 = arith.constant 0 : i32
    %dma_wait3A_143 = tpu.memref_slice %arg3[%dma_wait3A_138, %mul3A_137, %dma_wait3A_142] : memref<2x2560x125xi32, #tpu.memory_space<hbm>> -> memref<1x80x125xi32, #tpu.memory_space<hbm>>
    %dma_wait3A_144 = tpu.memref_squeeze %dma_wait3A_143 : memref<1x80x125xi32, #tpu.memory_space<hbm>> -> memref<80x125xi32, #tpu.memory_space<hbm>>
    tpu.wait_dma2 semaphore(%arg14 : memref<!tpu.dma_semaphore, #tpu.memory_space<semaphore_mem>>) src(%dma_wait3A_144 : memref<80x125xi32, #tpu.memory_space<hbm>>) dst(%arg6 : memref<80x125xi32, #tpu.memory_space<vmem>>)
    %lt3A_145 = arith.constant 15 : i32
    %lt3A_146 = arith.cmpi slt, %arg1, %lt3A_145 : i32
    %convert_element_type3A_147 = arith.extui %lt3A_146 : i1 to i32
    %cond3A_148 = arith.constant 0 : i32
    %cond3A_149 = arith.cmpi ne, %convert_element_type3A_147, %cond3A_148 : i32
    scf.if %cond3A_149 {
      %dma_wait3A_226 = arith.constant 0 : i32
      %dma_wait3A_227 = tpu.memref_slice %arg12[%mul3A_2, %dma_wait3A_226] : memref<10000x64xf32, #tpu.memory_space<vmem_shared>> -> memref<640x64xf32, #tpu.memory_space<vmem_shared>>
      %dma_wait3A_228 = arith.constant 0 : i32
      %dma_wait3A_229 = tpu.memref_slice %arg2[%mul3A_2, %dma_wait3A_228] : memref<10000x64xf32, #tpu.memory_space<hbm>> -> memref<640x64xf32, #tpu.memory_space<hbm>>
      tpu.wait_dma2 semaphore(%arg19 : memref<!tpu.dma_semaphore, #tpu.memory_space<semaphore_mem>>) src(%dma_wait3A_229 : memref<640x64xf32, #tpu.memory_space<hbm>>) dst(%dma_wait3A_227 : memref<640x64xf32, #tpu.memory_space<vmem_shared>>)
    } else {
    }
    %eq3A_150 = arith.constant 15 : i32
    %eq3A_151 = arith.cmpi eq, %arg1, %eq3A_150 : i32
    %convert_element_type3A_152 = arith.extui %eq3A_151 : i1 to i32
    %cond3A_153 = arith.constant 0 : i32
    %cond3A_154 = arith.cmpi ne, %convert_element_type3A_152, %cond3A_153 : i32
    scf.if %cond3A_154 {
      %dma_wait3A_226 = arith.constant 0 : i32
      %dma_wait3A_227 = tpu.memref_slice %arg12[%mul3A_2, %dma_wait3A_226] : memref<10000x64xf32, #tpu.memory_space<vmem_shared>> -> memref<400x64xf32, #tpu.memory_space<vmem_shared>>
      %dma_wait3A_228 = arith.constant 0 : i32
      %dma_wait3A_229 = tpu.memref_slice %arg2[%mul3A_2, %dma_wait3A_228] : memref<10000x64xf32, #tpu.memory_space<hbm>> -> memref<400x64xf32, #tpu.memory_space<hbm>>
      tpu.wait_dma2 semaphore(%arg19 : memref<!tpu.dma_semaphore, #tpu.memory_space<semaphore_mem>>) src(%dma_wait3A_229 : memref<400x64xf32, #tpu.memory_space<hbm>>) dst(%dma_wait3A_227 : memref<400x64xf32, #tpu.memory_space<vmem_shared>>)
    } else {
    }
    %barrier3A = arith.constant 0 : index
    tpu.barrier barrier_id(%barrier3A)
    %dma_start3A_155 = arith.constant 0 : i32
    %dma_start3A_156 = arith.constant 0 : i32
    %dma_start3A_157 = tpu.memref_slice %arg5[%dma_start3A_155, %dma_start3A_156] : memref<80x125xi32, #tpu.memory_space<vmem>> -> memref<1x125xi32, #tpu.memory_space<vmem>>
    %dma_start3A_158 = tpu.memref_squeeze %dma_start3A_157 : memref<1x125xi32, #tpu.memory_space<vmem>> -> memref<125xi32, #tpu.memory_space<vmem>>
    %dma_start3A_159 = arith.constant 0 : i32
    %dma_start3A_160 = arith.constant 0 : i32
    %dma_start3A_161 = tpu.memref_slice %arg12[%dma_start3A_159, %dma_start3A_160] : memref<10000x64xf32, #tpu.memory_space<vmem_shared>> -> memref<10000x64xf32, #tpu.memory_space<vmem_shared>>
    tpu.enqueue_indirect_dma source(%dma_start3A_161 : memref<10000x64xf32, #tpu.memory_space<vmem_shared>>) target(%arg7 : memref<125x64xf32, #tpu.memory_space<vmem>>) offsets(%dma_start3A_158 : memref<125xi32, #tpu.memory_space<vmem>>) semaphore(%arg13 : memref<!tpu.dma_semaphore, #tpu.memory_space<semaphore_mem>>)
    %dma_start3A_162 = arith.constant 1 : i32
    %dma_start3A_163 = arith.constant 0 : i32
    %dma_start3A_164 = tpu.memref_slice %arg5[%dma_start3A_162, %dma_start3A_163] : memref<80x125xi32, #tpu.memory_space<vmem>> -> memref<1x125xi32, #tpu.memory_space<vmem>>
    %dma_start3A_165 = tpu.memref_squeeze %dma_start3A_164 : memref<1x125xi32, #tpu.memory_space<vmem>> -> memref<125xi32, #tpu.memory_space<vmem>>
    %dma_start3A_166 = arith.constant 0 : i32
    %dma_start3A_167 = arith.constant 0 : i32
    %dma_start3A_168 = tpu.memref_slice %arg12[%dma_start3A_166, %dma_start3A_167] : memref<10000x64xf32, #tpu.memory_space<vmem_shared>> -> memref<10000x64xf32, #tpu.memory_space<vmem_shared>>
    tpu.enqueue_indirect_dma source(%dma_start3A_168 : memref<10000x64xf32, #tpu.memory_space<vmem_shared>>) target(%arg8 : memref<125x64xf32, #tpu.memory_space<vmem>>) offsets(%dma_start3A_165 : memref<125xi32, #tpu.memory_space<vmem>>) semaphore(%arg14 : memref<!tpu.dma_semaphore, #tpu.memory_space<semaphore_mem>>)
    %scan3A_169 = arith.constant 0 : i32
    %scan3A_170 = arith.constant 0 : i32
    %scan3A_171 = arith.constant 26 : i32
    %scan3A_172 = arith.addi %scan3A_170, %scan3A_171 : i32
    %scan3A_173 = arith.constant 1 : i32
    %scan3A_174 = scf.for %scan3A_226 = %scan3A_170 to %scan3A_172 step %scan3A_173 iter_args(%scan3A_227 = %scan3A_169) -> (i32)  : i32 {
      %mul3A_228 = arith.constant 3 : i32
      %mul3A_229 = arith.muli %scan3A_226, %mul3A_228 : i32
      %add3A_230 = arith.constant 0 : i32
      %add3A_231 = arith.addi %mul3A_229, %add3A_230 : i32
      %add3A_232 = arith.constant 2 : i32
      %add3A_233 = arith.addi %add3A_231, %add3A_232 : i32
      %lt3A_234 = arith.constant 80 : i32
      %lt3A_235 = arith.cmpi slt, %add3A_233, %lt3A_234 : i32
      %convert_element_type3A_236 = arith.extui %lt3A_235 : i1 to i32
      %cond3A_237 = arith.constant 0 : i32
      %cond3A_238 = arith.cmpi ne, %convert_element_type3A_236, %cond3A_237 : i32
      scf.if %cond3A_238 {
        %ge3A = arith.constant 1 : i32
        %ge3A_298 = arith.cmpi sge, %add3A_231, %ge3A : i32
        %convert_element_type3A_299 = arith.extui %ge3A_298 : i1 to i32
        %cond3A_300 = arith.constant 0 : i32
        %cond3A_301 = arith.cmpi ne, %convert_element_type3A_299, %cond3A_300 : i32
        scf.if %cond3A_301 {
          %sub3A = arith.constant 1 : i32
          %sub3A_310 = arith.subi %add3A_231, %sub3A : i32
          %dma_wait3A_311 = arith.constant 0 : i32
          %dma_wait3A_312 = tpu.memref_slice %arg6[%sub3A_310, %dma_wait3A_311] : memref<80x125xi32, #tpu.memory_space<vmem>> -> memref<1x125xi32, #tpu.memory_space<vmem>>
          %dma_wait3A_313 = tpu.memref_squeeze %dma_wait3A_312 : memref<1x125xi32, #tpu.memory_space<vmem>> -> memref<125xi32, #tpu.memory_space<vmem>>
          %dma_wait3A_314 = arith.constant 0 : i32
          %dma_wait3A_315 = arith.constant 0 : i32
          %dma_wait3A_316 = tpu.memref_slice %arg11[%dma_wait3A_314, %dma_wait3A_315] : memref<10240x64xf32, #tpu.memory_space<vmem_shared>> -> memref<10240x64xf32, #tpu.memory_space<vmem_shared>>
          tpu.wait_indirect_dma semaphore(%arg18 : memref<!tpu.dma_semaphore, #tpu.memory_space<semaphore_mem>>) src(%arg9 : memref<125x64xf32, #tpu.memory_space<vmem>>) dst(%dma_wait3A_316 : memref<10240x64xf32, #tpu.memory_space<vmem_shared>>)
        } else {
        }
        %add3A_302 = arith.constant 2 : i32
        %add3A_303 = arith.addi %add3A_231, %add3A_302 : i32
        %dma_start3A_304 = arith.constant 0 : i32
        %dma_start3A_305 = tpu.memref_slice %arg5[%add3A_303, %dma_start3A_304] : memref<80x125xi32, #tpu.memory_space<vmem>> -> memref<1x125xi32, #tpu.memory_space<vmem>>
        %dma_start3A_306 = tpu.memref_squeeze %dma_start3A_305 : memref<1x125xi32, #tpu.memory_space<vmem>> -> memref<125xi32, #tpu.memory_space<vmem>>
        %dma_start3A_307 = arith.constant 0 : i32
        %dma_start3A_308 = arith.constant 0 : i32
        %dma_start3A_309 = tpu.memref_slice %arg12[%dma_start3A_307, %dma_start3A_308] : memref<10000x64xf32, #tpu.memory_space<vmem_shared>> -> memref<10000x64xf32, #tpu.memory_space<vmem_shared>>
        tpu.enqueue_indirect_dma source(%dma_start3A_309 : memref<10000x64xf32, #tpu.memory_space<vmem_shared>>) target(%arg9 : memref<125x64xf32, #tpu.memory_space<vmem>>) offsets(%dma_start3A_306 : memref<125xi32, #tpu.memory_space<vmem>>) semaphore(%arg15 : memref<!tpu.dma_semaphore, #tpu.memory_space<semaphore_mem>>)
      } else {
      }
      %dma_wait3A_239 = arith.constant 0 : i32
      %dma_wait3A_240 = tpu.memref_slice %arg5[%add3A_231, %dma_wait3A_239] : memref<80x125xi32, #tpu.memory_space<vmem>> -> memref<1x125xi32, #tpu.memory_space<vmem>>
      %dma_wait3A_241 = tpu.memref_squeeze %dma_wait3A_240 : memref<1x125xi32, #tpu.memory_space<vmem>> -> memref<125xi32, #tpu.memory_space<vmem>>
      %dma_wait3A_242 = arith.constant 0 : i32
      %dma_wait3A_243 = arith.constant 0 : i32
      %dma_wait3A_244 = tpu.memref_slice %arg12[%dma_wait3A_242, %dma_wait3A_243] : memref<10000x64xf32, #tpu.memory_space<vmem_shared>> -> memref<10000x64xf32, #tpu.memory_space<vmem_shared>>
      tpu.wait_indirect_dma semaphore(%arg13 : memref<!tpu.dma_semaphore, #tpu.memory_space<semaphore_mem>>) src(%dma_wait3A_244 : memref<10000x64xf32, #tpu.memory_space<vmem_shared>>) dst(%arg7 : memref<125x64xf32, #tpu.memory_space<vmem>>)
      %dma_start3A_245 = arith.constant 0 : i32
      %dma_start3A_246 = tpu.memref_slice %arg6[%add3A_231, %dma_start3A_245] : memref<80x125xi32, #tpu.memory_space<vmem>> -> memref<1x125xi32, #tpu.memory_space<vmem>>
      %dma_start3A_247 = tpu.memref_squeeze %dma_start3A_246 : memref<1x125xi32, #tpu.memory_space<vmem>> -> memref<125xi32, #tpu.memory_space<vmem>>
      %dma_start3A_248 = arith.constant 0 : i32
      %dma_start3A_249 = arith.constant 0 : i32
      %dma_start3A_250 = tpu.memref_slice %arg11[%dma_start3A_248, %dma_start3A_249] : memref<10240x64xf32, #tpu.memory_space<vmem_shared>> -> memref<10240x64xf32, #tpu.memory_space<vmem_shared>>
      tpu.enqueue_indirect_dma source(%arg7 : memref<125x64xf32, #tpu.memory_space<vmem>>) target(%dma_start3A_250 : memref<10240x64xf32, #tpu.memory_space<vmem_shared>>) offsets(%dma_start3A_247 : memref<125xi32, #tpu.memory_space<vmem>>) semaphore(%arg16 : memref<!tpu.dma_semaphore, #tpu.memory_space<semaphore_mem>>) {add = true}
      %mul3A_251 = arith.constant 3 : i32
      %mul3A_252 = arith.muli %scan3A_226, %mul3A_251 : i32
      %add3A_253 = arith.constant 1 : i32
      %add3A_254 = arith.addi %mul3A_252, %add3A_253 : i32
      %add3A_255 = arith.constant 2 : i32
      %add3A_256 = arith.addi %add3A_254, %add3A_255 : i32
      %lt3A_257 = arith.constant 80 : i32
      %lt3A_258 = arith.cmpi slt, %add3A_256, %lt3A_257 : i32
      %convert_element_type3A_259 = arith.extui %lt3A_258 : i1 to i32
      %cond3A_260 = arith.constant 0 : i32
      %cond3A_261 = arith.cmpi ne, %convert_element_type3A_259, %cond3A_260 : i32
      scf.if %cond3A_261 {
        %ge3A = arith.constant 1 : i32
        %ge3A_298 = arith.cmpi sge, %add3A_254, %ge3A : i32
        %convert_element_type3A_299 = arith.extui %ge3A_298 : i1 to i32
        %cond3A_300 = arith.constant 0 : i32
        %cond3A_301 = arith.cmpi ne, %convert_element_type3A_299, %cond3A_300 : i32
        scf.if %cond3A_301 {
          %sub3A = arith.constant 1 : i32
          %sub3A_310 = arith.subi %add3A_254, %sub3A : i32
          %dma_wait3A_311 = arith.constant 0 : i32
          %dma_wait3A_312 = tpu.memref_slice %arg6[%sub3A_310, %dma_wait3A_311] : memref<80x125xi32, #tpu.memory_space<vmem>> -> memref<1x125xi32, #tpu.memory_space<vmem>>
          %dma_wait3A_313 = tpu.memref_squeeze %dma_wait3A_312 : memref<1x125xi32, #tpu.memory_space<vmem>> -> memref<125xi32, #tpu.memory_space<vmem>>
          %dma_wait3A_314 = arith.constant 0 : i32
          %dma_wait3A_315 = arith.constant 0 : i32
          %dma_wait3A_316 = tpu.memref_slice %arg11[%dma_wait3A_314, %dma_wait3A_315] : memref<10240x64xf32, #tpu.memory_space<vmem_shared>> -> memref<10240x64xf32, #tpu.memory_space<vmem_shared>>
          tpu.wait_indirect_dma semaphore(%arg16 : memref<!tpu.dma_semaphore, #tpu.memory_space<semaphore_mem>>) src(%arg7 : memref<125x64xf32, #tpu.memory_space<vmem>>) dst(%dma_wait3A_316 : memref<10240x64xf32, #tpu.memory_space<vmem_shared>>)
        } else {
        }
        %add3A_302 = arith.constant 2 : i32
        %add3A_303 = arith.addi %add3A_254, %add3A_302 : i32
        %dma_start3A_304 = arith.constant 0 : i32
        %dma_start3A_305 = tpu.memref_slice %arg5[%add3A_303, %dma_start3A_304] : memref<80x125xi32, #tpu.memory_space<vmem>> -> memref<1x125xi32, #tpu.memory_space<vmem>>
        %dma_start3A_306 = tpu.memref_squeeze %dma_start3A_305 : memref<1x125xi32, #tpu.memory_space<vmem>> -> memref<125xi32, #tpu.memory_space<vmem>>
        %dma_start3A_307 = arith.constant 0 : i32
        %dma_start3A_308 = arith.constant 0 : i32
        %dma_start3A_309 = tpu.memref_slice %arg12[%dma_start3A_307, %dma_start3A_308] : memref<10000x64xf32, #tpu.memory_space<vmem_shared>> -> memref<10000x64xf32, #tpu.memory_space<vmem_shared>>
        tpu.enqueue_indirect_dma source(%dma_start3A_309 : memref<10000x64xf32, #tpu.memory_space<vmem_shared>>) target(%arg7 : memref<125x64xf32, #tpu.memory_space<vmem>>) offsets(%dma_start3A_306 : memref<125xi32, #tpu.memory_space<vmem>>) semaphore(%arg13 : memref<!tpu.dma_semaphore, #tpu.memory_space<semaphore_mem>>)
      } else {
      }
      %dma_wait3A_262 = arith.constant 0 : i32
      %dma_wait3A_263 = tpu.memref_slice %arg5[%add3A_254, %dma_wait3A_262] : memref<80x125xi32, #tpu.memory_space<vmem>> -> memref<1x125xi32, #tpu.memory_space<vmem>>
      %dma_wait3A_264 = tpu.memref_squeeze %dma_wait3A_263 : memref<1x125xi32, #tpu.memory_space<vmem>> -> memref<125xi32, #tpu.memory_space<vmem>>
      %dma_wait3A_265 = arith.constant 0 : i32
      %dma_wait3A_266 = arith.constant 0 : i32
      %dma_wait3A_267 = tpu.memref_slice %arg12[%dma_wait3A_265, %dma_wait3A_266] : memref<10000x64xf32, #tpu.memory_space<vmem_shared>> -> memref<10000x64xf32, #tpu.memory_space<vmem_shared>>
      tpu.wait_indirect_dma semaphore(%arg14 : memref<!tpu.dma_semaphore, #tpu.memory_space<semaphore_mem>>) src(%dma_wait3A_267 : memref<10000x64xf32, #tpu.memory_space<vmem_shared>>) dst(%arg8 : memref<125x64xf32, #tpu.memory_space<vmem>>)
      %dma_start3A_268 = arith.constant 0 : i32
      %dma_start3A_269 = tpu.memref_slice %arg6[%add3A_254, %dma_start3A_268] : memref<80x125xi32, #tpu.memory_space<vmem>> -> memref<1x125xi32, #tpu.memory_space<vmem>>
      %dma_start3A_270 = tpu.memref_squeeze %dma_start3A_269 : memref<1x125xi32, #tpu.memory_space<vmem>> -> memref<125xi32, #tpu.memory_space<vmem>>
      %dma_start3A_271 = arith.constant 0 : i32
      %dma_start3A_272 = arith.constant 0 : i32
      %dma_start3A_273 = tpu.memref_slice %arg11[%dma_start3A_271, %dma_start3A_272] : memref<10240x64xf32, #tpu.memory_space<vmem_shared>> -> memref<10240x64xf32, #tpu.memory_space<vmem_shared>>
      tpu.enqueue_indirect_dma source(%arg8 : memref<125x64xf32, #tpu.memory_space<vmem>>) target(%dma_start3A_273 : memref<10240x64xf32, #tpu.memory_space<vmem_shared>>) offsets(%dma_start3A_270 : memref<125xi32, #tpu.memory_space<vmem>>) semaphore(%arg17 : memref<!tpu.dma_semaphore, #tpu.memory_space<semaphore_mem>>) {add = true}
      %mul3A_274 = arith.constant 3 : i32
      %mul3A_275 = arith.muli %scan3A_226, %mul3A_274 : i32
      %add3A_276 = arith.constant 2 : i32
      %add3A_277 = arith.addi %mul3A_275, %add3A_276 : i32
      %add3A_278 = arith.constant 2 : i32
      %add3A_279 = arith.addi %add3A_277, %add3A_278 : i32
      %lt3A_280 = arith.constant 80 : i32
      %lt3A_281 = arith.cmpi slt, %add3A_279, %lt3A_280 : i32
      %convert_element_type3A_282 = arith.extui %lt3A_281 : i1 to i32
      %cond3A_283 = arith.constant 0 : i32
      %cond3A_284 = arith.cmpi ne, %convert_element_type3A_282, %cond3A_283 : i32
      scf.if %cond3A_284 {
        %ge3A = arith.constant 1 : i32
        %ge3A_298 = arith.cmpi sge, %add3A_277, %ge3A : i32
        %convert_element_type3A_299 = arith.extui %ge3A_298 : i1 to i32
        %cond3A_300 = arith.constant 0 : i32
        %cond3A_301 = arith.cmpi ne, %convert_element_type3A_299, %cond3A_300 : i32
        scf.if %cond3A_301 {
          %sub3A = arith.constant 1 : i32
          %sub3A_310 = arith.subi %add3A_277, %sub3A : i32
          %dma_wait3A_311 = arith.constant 0 : i32
          %dma_wait3A_312 = tpu.memref_slice %arg6[%sub3A_310, %dma_wait3A_311] : memref<80x125xi32, #tpu.memory_space<vmem>> -> memref<1x125xi32, #tpu.memory_space<vmem>>
          %dma_wait3A_313 = tpu.memref_squeeze %dma_wait3A_312 : memref<1x125xi32, #tpu.memory_space<vmem>> -> memref<125xi32, #tpu.memory_space<vmem>>
          %dma_wait3A_314 = arith.constant 0 : i32
          %dma_wait3A_315 = arith.constant 0 : i32
          %dma_wait3A_316 = tpu.memref_slice %arg11[%dma_wait3A_314, %dma_wait3A_315] : memref<10240x64xf32, #tpu.memory_space<vmem_shared>> -> memref<10240x64xf32, #tpu.memory_space<vmem_shared>>
          tpu.wait_indirect_dma semaphore(%arg17 : memref<!tpu.dma_semaphore, #tpu.memory_space<semaphore_mem>>) src(%arg8 : memref<125x64xf32, #tpu.memory_space<vmem>>) dst(%dma_wait3A_316 : memref<10240x64xf32, #tpu.memory_space<vmem_shared>>)
        } else {
        }
        %add3A_302 = arith.constant 2 : i32
        %add3A_303 = arith.addi %add3A_277, %add3A_302 : i32
        %dma_start3A_304 = arith.constant 0 : i32
        %dma_start3A_305 = tpu.memref_slice %arg5[%add3A_303, %dma_start3A_304] : memref<80x125xi32, #tpu.memory_space<vmem>> -> memref<1x125xi32, #tpu.memory_space<vmem>>
        %dma_start3A_306 = tpu.memref_squeeze %dma_start3A_305 : memref<1x125xi32, #tpu.memory_space<vmem>> -> memref<125xi32, #tpu.memory_space<vmem>>
        %dma_start3A_307 = arith.constant 0 : i32
        %dma_start3A_308 = arith.constant 0 : i32
        %dma_start3A_309 = tpu.memref_slice %arg12[%dma_start3A_307, %dma_start3A_308] : memref<10000x64xf32, #tpu.memory_space<vmem_shared>> -> memref<10000x64xf32, #tpu.memory_space<vmem_shared>>
        tpu.enqueue_indirect_dma source(%dma_start3A_309 : memref<10000x64xf32, #tpu.memory_space<vmem_shared>>) target(%arg8 : memref<125x64xf32, #tpu.memory_space<vmem>>) offsets(%dma_start3A_306 : memref<125xi32, #tpu.memory_space<vmem>>) semaphore(%arg14 : memref<!tpu.dma_semaphore, #tpu.memory_space<semaphore_mem>>)
      } else {
      }
      %dma_wait3A_285 = arith.constant 0 : i32
      %dma_wait3A_286 = tpu.memref_slice %arg5[%add3A_277, %dma_wait3A_285] : memref<80x125xi32, #tpu.memory_space<vmem>> -> memref<1x125xi32, #tpu.memory_space<vmem>>
      %dma_wait3A_287 = tpu.memref_squeeze %dma_wait3A_286 : memref<1x125xi32, #tpu.memory_space<vmem>> -> memref<125xi32, #tpu.memory_space<vmem>>
      %dma_wait3A_288 = arith.constant 0 : i32
      %dma_wait3A_289 = arith.constant 0 : i32
      %dma_wait3A_290 = tpu.memref_slice %arg12[%dma_wait3A_288, %dma_wait3A_289] : memref<10000x64xf32, #tpu.memory_space<vmem_shared>> -> memref<10000x64xf32, #tpu.memory_space<vmem_shared>>
      tpu.wait_indirect_dma semaphore(%arg15 : memref<!tpu.dma_semaphore, #tpu.memory_space<semaphore_mem>>) src(%dma_wait3A_290 : memref<10000x64xf32, #tpu.memory_space<vmem_shared>>) dst(%arg9 : memref<125x64xf32, #tpu.memory_space<vmem>>)
      %dma_start3A_291 = arith.constant 0 : i32
      %dma_start3A_292 = tpu.memref_slice %arg6[%add3A_277, %dma_start3A_291] : memref<80x125xi32, #tpu.memory_space<vmem>> -> memref<1x125xi32, #tpu.memory_space<vmem>>
      %dma_start3A_293 = tpu.memref_squeeze %dma_start3A_292 : memref<1x125xi32, #tpu.memory_space<vmem>> -> memref<125xi32, #tpu.memory_space<vmem>>
      %dma_start3A_294 = arith.constant 0 : i32
      %dma_start3A_295 = arith.constant 0 : i32
      %dma_start3A_296 = tpu.memref_slice %arg11[%dma_start3A_294, %dma_start3A_295] : memref<10240x64xf32, #tpu.memory_space<vmem_shared>> -> memref<10240x64xf32, #tpu.memory_space<vmem_shared>>
      tpu.enqueue_indirect_dma source(%arg9 : memref<125x64xf32, #tpu.memory_space<vmem>>) target(%dma_start3A_296 : memref<10240x64xf32, #tpu.memory_space<vmem_shared>>) offsets(%dma_start3A_293 : memref<125xi32, #tpu.memory_space<vmem>>) semaphore(%arg18 : memref<!tpu.dma_semaphore, #tpu.memory_space<semaphore_mem>>) {add = true}
      %scan3A_297 = arith.constant 0 : i32
      scf.yield %scan3A_297 : i32
    }
    %scan3A_175 = arith.constant 26 : i32
    %dma_wait3A_176 = arith.constant 78 : i32
    %dma_wait3A_177 = arith.constant 0 : i32
    %dma_wait3A_178 = tpu.memref_slice %arg5[%dma_wait3A_176, %dma_wait3A_177] : memref<80x125xi32, #tpu.memory_space<vmem>> -> memref<1x125xi32, #tpu.memory_space<vmem>>
    %dma_wait3A_179 = tpu.memref_squeeze %dma_wait3A_178 : memref<1x125xi32, #tpu.memory_space<vmem>> -> memref<125xi32, #tpu.memory_space<vmem>>
    %dma_wait3A_180 = arith.constant 0 : i32
    %dma_wait3A_181 = arith.constant 0 : i32
    %dma_wait3A_182 = tpu.memref_slice %arg12[%dma_wait3A_180, %dma_wait3A_181] : memref<10000x64xf32, #tpu.memory_space<vmem_shared>> -> memref<10000x64xf32, #tpu.memory_space<vmem_shared>>
    tpu.wait_indirect_dma semaphore(%arg13 : memref<!tpu.dma_semaphore, #tpu.memory_space<semaphore_mem>>) src(%dma_wait3A_182 : memref<10000x64xf32, #tpu.memory_space<vmem_shared>>) dst(%arg7 : memref<125x64xf32, #tpu.memory_space<vmem>>)
    %dma_start3A_183 = arith.constant 78 : i32
    %dma_start3A_184 = arith.constant 0 : i32
    %dma_start3A_185 = tpu.memref_slice %arg6[%dma_start3A_183, %dma_start3A_184] : memref<80x125xi32, #tpu.memory_space<vmem>> -> memref<1x125xi32, #tpu.memory_space<vmem>>
    %dma_start3A_186 = tpu.memref_squeeze %dma_start3A_185 : memref<1x125xi32, #tpu.memory_space<vmem>> -> memref<125xi32, #tpu.memory_space<vmem>>
    %dma_start3A_187 = arith.constant 0 : i32
    %dma_start3A_188 = arith.constant 0 : i32
    %dma_start3A_189 = tpu.memref_slice %arg11[%dma_start3A_187, %dma_start3A_188] : memref<10240x64xf32, #tpu.memory_space<vmem_shared>> -> memref<10240x64xf32, #tpu.memory_space<vmem_shared>>
    tpu.enqueue_indirect_dma source(%arg7 : memref<125x64xf32, #tpu.memory_space<vmem>>) target(%dma_start3A_189 : memref<10240x64xf32, #tpu.memory_space<vmem_shared>>) offsets(%dma_start3A_186 : memref<125xi32, #tpu.memory_space<vmem>>) semaphore(%arg16 : memref<!tpu.dma_semaphore, #tpu.memory_space<semaphore_mem>>) {add = true}
    %dma_wait3A_190 = arith.constant 79 : i32
    %dma_wait3A_191 = arith.constant 0 : i32
    %dma_wait3A_192 = tpu.memref_slice %arg5[%dma_wait3A_190, %dma_wait3A_191] : memref<80x125xi32, #tpu.memory_space<vmem>> -> memref<1x125xi32, #tpu.memory_space<vmem>>
    %dma_wait3A_193 = tpu.memref_squeeze %dma_wait3A_192 : memref<1x125xi32, #tpu.memory_space<vmem>> -> memref<125xi32, #tpu.memory_space<vmem>>
    %dma_wait3A_194 = arith.constant 0 : i32
    %dma_wait3A_195 = arith.constant 0 : i32
    %dma_wait3A_196 = tpu.memref_slice %arg12[%dma_wait3A_194, %dma_wait3A_195] : memref<10000x64xf32, #tpu.memory_space<vmem_shared>> -> memref<10000x64xf32, #tpu.memory_space<vmem_shared>>
    tpu.wait_indirect_dma semaphore(%arg14 : memref<!tpu.dma_semaphore, #tpu.memory_space<semaphore_mem>>) src(%dma_wait3A_196 : memref<10000x64xf32, #tpu.memory_space<vmem_shared>>) dst(%arg8 : memref<125x64xf32, #tpu.memory_space<vmem>>)
    %dma_start3A_197 = arith.constant 79 : i32
    %dma_start3A_198 = arith.constant 0 : i32
    %dma_start3A_199 = tpu.memref_slice %arg6[%dma_start3A_197, %dma_start3A_198] : memref<80x125xi32, #tpu.memory_space<vmem>> -> memref<1x125xi32, #tpu.memory_space<vmem>>
    %dma_start3A_200 = tpu.memref_squeeze %dma_start3A_199 : memref<1x125xi32, #tpu.memory_space<vmem>> -> memref<125xi32, #tpu.memory_space<vmem>>
    %dma_start3A_201 = arith.constant 0 : i32
    %dma_start3A_202 = arith.constant 0 : i32
    %dma_start3A_203 = tpu.memref_slice %arg11[%dma_start3A_201, %dma_start3A_202] : memref<10240x64xf32, #tpu.memory_space<vmem_shared>> -> memref<10240x64xf32, #tpu.memory_space<vmem_shared>>
    tpu.enqueue_indirect_dma source(%arg8 : memref<125x64xf32, #tpu.memory_space<vmem>>) target(%dma_start3A_203 : memref<10240x64xf32, #tpu.memory_space<vmem_shared>>) offsets(%dma_start3A_200 : memref<125xi32, #tpu.memory_space<vmem>>) semaphore(%arg17 : memref<!tpu.dma_semaphore, #tpu.memory_space<semaphore_mem>>) {add = true}
    %dma_wait3A_204 = arith.constant 77 : i32
    %dma_wait3A_205 = arith.constant 0 : i32
    %dma_wait3A_206 = tpu.memref_slice %arg6[%dma_wait3A_204, %dma_wait3A_205] : memref<80x125xi32, #tpu.memory_space<vmem>> -> memref<1x125xi32, #tpu.memory_space<vmem>>
    %dma_wait3A_207 = tpu.memref_squeeze %dma_wait3A_206 : memref<1x125xi32, #tpu.memory_space<vmem>> -> memref<125xi32, #tpu.memory_space<vmem>>
    %dma_wait3A_208 = arith.constant 0 : i32
    %dma_wait3A_209 = arith.constant 0 : i32
    %dma_wait3A_210 = tpu.memref_slice %arg11[%dma_wait3A_208, %dma_wait3A_209] : memref<10240x64xf32, #tpu.memory_space<vmem_shared>> -> memref<10240x64xf32, #tpu.memory_space<vmem_shared>>
    tpu.wait_indirect_dma semaphore(%arg18 : memref<!tpu.dma_semaphore, #tpu.memory_space<semaphore_mem>>) src(%arg9 : memref<125x64xf32, #tpu.memory_space<vmem>>) dst(%dma_wait3A_210 : memref<10240x64xf32, #tpu.memory_space<vmem_shared>>)
    %dma_wait3A_211 = arith.constant 78 : i32
    %dma_wait3A_212 = arith.constant 0 : i32
    %dma_wait3A_213 = tpu.memref_slice %arg6[%dma_wait3A_211, %dma_wait3A_212] : memref<80x125xi32, #tpu.memory_space<vmem>> -> memref<1x125xi32, #tpu.memory_space<vmem>>
    %dma_wait3A_214 = tpu.memref_squeeze %dma_wait3A_213 : memref<1x125xi32, #tpu.memory_space<vmem>> -> memref<125xi32, #tpu.memory_space<vmem>>
    %dma_wait3A_215 = arith.constant 0 : i32
    %dma_wait3A_216 = arith.constant 0 : i32
    %dma_wait3A_217 = tpu.memref_slice %arg11[%dma_wait3A_215, %dma_wait3A_216] : memref<10240x64xf32, #tpu.memory_space<vmem_shared>> -> memref<10240x64xf32, #tpu.memory_space<vmem_shared>>
    tpu.wait_indirect_dma semaphore(%arg16 : memref<!tpu.dma_semaphore, #tpu.memory_space<semaphore_mem>>) src(%arg7 : memref<125x64xf32, #tpu.memory_space<vmem>>) dst(%dma_wait3A_217 : memref<10240x64xf32, #tpu.memory_space<vmem_shared>>)
    %dma_wait3A_218 = arith.constant 79 : i32
    %dma_wait3A_219 = arith.constant 0 : i32
    %dma_wait3A_220 = tpu.memref_slice %arg6[%dma_wait3A_218, %dma_wait3A_219] : memref<80x125xi32, #tpu.memory_space<vmem>> -> memref<1x125xi32, #tpu.memory_space<vmem>>
    %dma_wait3A_221 = tpu.memref_squeeze %dma_wait3A_220 : memref<1x125xi32, #tpu.memory_space<vmem>> -> memref<125xi32, #tpu.memory_space<vmem>>
    %dma_wait3A_222 = arith.constant 0 : i32
    %dma_wait3A_223 = arith.constant 0 : i32
    %dma_wait3A_224 = tpu.memref_slice %arg11[%dma_wait3A_222, %dma_wait3A_223] : memref<10240x64xf32, #tpu.memory_space<vmem_shared>> -> memref<10240x64xf32, #tpu.memory_space<vmem_shared>>
    tpu.wait_indirect_dma semaphore(%arg17 : memref<!tpu.dma_semaphore, #tpu.memory_space<semaphore_mem>>) src(%arg8 : memref<125x64xf32, #tpu.memory_space<vmem>>) dst(%dma_wait3A_224 : memref<10240x64xf32, #tpu.memory_space<vmem_shared>>)
    %barrier3A_225 = arith.constant 0 : index
    tpu.barrier barrier_id(%barrier3A_225)
    "tpu.region"() ({
      %run_scoped3A = tpu.sem_alloc : memref<!tpu.dma_semaphore, #tpu.memory_space<semaphore_mem>>
      %dma_start3A_226 = arith.constant 0 : i32
      %dma_start3A_227 = tpu.memref_slice %arg4[%arg0, %mul3A_2, %dma_start3A_226] : memref<2x10240x64xf32, #tpu.memory_space<hbm>> -> memref<1x640x64xf32, #tpu.memory_space<hbm>>
      %dma_start3A_228 = tpu.memref_squeeze %dma_start3A_227 : memref<1x640x64xf32, #tpu.memory_space<hbm>> -> memref<640x64xf32, #tpu.memory_space<hbm>>
      %dma_start3A_229 = arith.constant 0 : i32
      %dma_start3A_230 = tpu.memref_slice %arg11[%mul3A_2, %dma_start3A_229] : memref<10240x64xf32, #tpu.memory_space<vmem_shared>> -> memref<640x64xf32, #tpu.memory_space<vmem_shared>>
      tpu.enqueue_dma source(%dma_start3A_230 : memref<640x64xf32, #tpu.memory_space<vmem_shared>>) target(%dma_start3A_228 : memref<640x64xf32, #tpu.memory_space<hbm>>) target_semaphore(%run_scoped3A : memref<!tpu.dma_semaphore, #tpu.memory_space<semaphore_mem>>)
      %dma_wait3A_231 = arith.constant 0 : i32
      %dma_wait3A_232 = tpu.memref_slice %arg4[%arg0, %mul3A_2, %dma_wait3A_231] : memref<2x10240x64xf32, #tpu.memory_space<hbm>> -> memref<1x640x64xf32, #tpu.memory_space<hbm>>
      %dma_wait3A_233 = tpu.memref_squeeze %dma_wait3A_232 : memref<1x640x64xf32, #tpu.memory_space<hbm>> -> memref<640x64xf32, #tpu.memory_space<hbm>>
      %dma_wait3A_234 = arith.constant 0 : i32
      %dma_wait3A_235 = tpu.memref_slice %arg11[%mul3A_2, %dma_wait3A_234] : memref<10240x64xf32, #tpu.memory_space<vmem_shared>> -> memref<640x64xf32, #tpu.memory_space<vmem_shared>>
      tpu.wait_dma2 semaphore(%run_scoped3A : memref<!tpu.dma_semaphore, #tpu.memory_space<semaphore_mem>>) src(%dma_wait3A_235 : memref<640x64xf32, #tpu.memory_space<vmem_shared>>) dst(%dma_wait3A_233 : memref<640x64xf32, #tpu.memory_space<hbm>>)
      tpu.yield
    }) : () -> ()
    return
  }
}

#map = affine_map<(d0, d1) -> (0, 0)>
#map1 = affine_map<(d0, d1) -> (0, 0, 0)>
module attributes {stable_mosaic.version = 14 : i64} {
  func.func @aggregate(%arg0: i32, %arg1: i32, %arg2: memref<10000x64xf32, #tpu.memory_space<hbm>>, %arg3: memref<2x2560x125xi32, #tpu.memory_space<hbm>>, %arg4: memref<2x10240x64xf32, #tpu.memory_space<hbm>>, %arg5: memref<80x125xi32, #tpu.memory_space<vmem>>, %arg6: memref<80x125xi32, #tpu.memory_space<vmem>>, %arg7: memref<125x64xf32, #tpu.memory_space<vmem>>, %arg8: memref<125x64xf32, #tpu.memory_space<vmem>>, %arg9: memref<125x64xf32, #tpu.memory_space<vmem>>, %arg10: memref<80x64xf32, #tpu.memory_space<vmem>>, %arg11: memref<10240x64xf32, #tpu.memory_space<vmem_shared>>, %arg12: memref<10000x64xf32, #tpu.memory_space<vmem_shared>>, %arg13: memref<!tpu.dma_semaphore, #tpu.memory_space<semaphore_mem>>, %arg14: memref<!tpu.dma_semaphore, #tpu.memory_space<semaphore_mem>>, %arg15: memref<!tpu.dma_semaphore, #tpu.memory_space<semaphore_mem>>, %arg16: memref<!tpu.dma_semaphore, #tpu.memory_space<semaphore_mem>>, %arg17: memref<!tpu.dma_semaphore, #tpu.memory_space<semaphore_mem>>, %arg18: memref<!tpu.dma_semaphore, #tpu.memory_space<semaphore_mem>>, %arg19: memref<!tpu.dma_semaphore, #tpu.memory_space<semaphore_mem>>) attributes {dimension_semantics = [#tpu.dimension_semantics<core_parallel>, #tpu.dimension_semantics<subcore_parallel>], iteration_bounds = array<i64: 2, 16>, scalar_prefetch = 0 : i64, scratch_operands = 15 : i64, tpu.core_type = #tpu.core_type<sc_vector_subcore>, window_params = [{transform_indices = #map}, {transform_indices = #map1}, {transform_indices = #map1}]} {
    %mul3A = arith.constant 16 : i32
    %mul3A_0 = arith.muli %arg0, %mul3A : i32
    %add3A = arith.addi %mul3A_0, %arg1 : i32
    %mul3A_1 = arith.constant 640 : i32
    %mul3A_2 = arith.muli %arg1, %mul3A_1 : i32
    %lt3A = arith.constant 15 : i32
    %lt3A_3 = arith.cmpi slt, %arg1, %lt3A : i32
    %convert_element_type3A = arith.extui %lt3A_3 : i1 to i32
    %cond3A = arith.constant 0 : i32
    %cond3A_4 = arith.cmpi ne, %convert_element_type3A, %cond3A : i32
    scf.if %cond3A_4 {
      %dma_start3A_226 = arith.constant 0 : i32
      %dma_start3A_227 = tpu.memref_slice %arg12[%mul3A_2, %dma_start3A_226] : memref<10000x64xf32, #tpu.memory_space<vmem_shared>> -> memref<640x64xf32, #tpu.memory_space<vmem_shared>>
      %dma_start3A_228 = arith.constant 0 : i32
      %dma_start3A_229 = tpu.memref_slice %arg2[%mul3A_2, %dma_start3A_228] : memref<10000x64xf32, #tpu.memory_space<hbm>> -> memref<640x64xf32, #tpu.memory_space<hbm>>
      tpu.enqueue_dma source(%dma_start3A_229 : memref<640x64xf32, #tpu.memory_space<hbm>>) target(%dma_start3A_227 : memref<640x64xf32, #tpu.memory_space<vmem_shared>>) target_semaphore(%arg19 : memref<!tpu.dma_semaphore, #tpu.memory_space<semaphore_mem>>)
    } else {
    }
    %eq3A = arith.constant 15 : i32
    %eq3A_5 = arith.cmpi eq, %arg1, %eq3A : i32
    %convert_element_type3A_6 = arith.extui %eq3A_5 : i1 to i32
    %cond3A_7 = arith.constant 0 : i32
    %cond3A_8 = arith.cmpi ne, %convert_element_type3A_6, %cond3A_7 : i32
    scf.if %cond3A_8 {
      %dma_start3A_226 = arith.constant 0 : i32
      %dma_start3A_227 = tpu.memref_slice %arg12[%mul3A_2, %dma_start3A_226] : memref<10000x64xf32, #tpu.memory_space<vmem_shared>> -> memref<400x64xf32, #tpu.memory_space<vmem_shared>>
      %dma_start3A_228 = arith.constant 0 : i32
      %dma_start3A_229 = tpu.memref_slice %arg2[%mul3A_2, %dma_start3A_228] : memref<10000x64xf32, #tpu.memory_space<hbm>> -> memref<400x64xf32, #tpu.memory_space<hbm>>
      tpu.enqueue_dma source(%dma_start3A_229 : memref<400x64xf32, #tpu.memory_space<hbm>>) target(%dma_start3A_227 : memref<400x64xf32, #tpu.memory_space<vmem_shared>>) target_semaphore(%arg19 : memref<!tpu.dma_semaphore, #tpu.memory_space<semaphore_mem>>)
    } else {
    }
    %mul3A_9 = arith.constant 80 : i32
    %mul3A_10 = arith.muli %add3A, %mul3A_9 : i32
    %dma_start3A = arith.constant 0 : i32
    %dma_start3A_11 = arith.constant 0 : i32
    %dma_start3A_12 = tpu.memref_slice %arg3[%dma_start3A, %mul3A_10, %dma_start3A_11] : memref<2x2560x125xi32, #tpu.memory_space<hbm>> -> memref<1x80x125xi32, #tpu.memory_space<hbm>>
    %dma_start3A_13 = tpu.memref_squeeze %dma_start3A_12 : memref<1x80x125xi32, #tpu.memory_space<hbm>> -> memref<80x125xi32, #tpu.memory_space<hbm>>
    %dma_start3A_14 = arith.constant 0 : i32
    %dma_start3A_15 = tpu.memref_slice %arg3[%dma_start3A, %mul3A_10, %dma_start3A_14] : memref<2x2560x125xi32, #tpu.memory_space<hbm>> -> memref<1x80x125xi32, #tpu.memory_space<hbm>>
    %dma_start3A_16 = tpu.memref_squeeze %dma_start3A_15 : memref<1x80x125xi32, #tpu.memory_space<hbm>> -> memref<80x125xi32, #tpu.memory_space<hbm>>
    tpu.enqueue_dma source(%dma_start3A_16 : memref<80x125xi32, #tpu.memory_space<hbm>>) target(%arg5 : memref<80x125xi32, #tpu.memory_space<vmem>>) target_semaphore(%arg13 : memref<!tpu.dma_semaphore, #tpu.memory_space<semaphore_mem>>)
    %mul3A_17 = arith.constant 80 : i32
    %mul3A_18 = arith.muli %add3A, %mul3A_17 : i32
    %dma_start3A_19 = arith.constant 1 : i32
    %dma_start3A_20 = arith.constant 0 : i32
    %dma_start3A_21 = tpu.memref_slice %arg3[%dma_start3A_19, %mul3A_18, %dma_start3A_20] : memref<2x2560x125xi32, #tpu.memory_space<hbm>> -> memref<1x80x125xi32, #tpu.memory_space<hbm>>
    %dma_start3A_22 = tpu.memref_squeeze %dma_start3A_21 : memref<1x80x125xi32, #tpu.memory_space<hbm>> -> memref<80x125xi32, #tpu.memory_space<hbm>>
    %dma_start3A_23 = arith.constant 0 : i32
    %dma_start3A_24 = tpu.memref_slice %arg3[%dma_start3A_19, %mul3A_18, %dma_start3A_23] : memref<2x2560x125xi32, #tpu.memory_space<hbm>> -> memref<1x80x125xi32, #tpu.memory_space<hbm>>
    %dma_start3A_25 = tpu.memref_squeeze %dma_start3A_24 : memref<1x80x125xi32, #tpu.memory_space<hbm>> -> memref<80x125xi32, #tpu.memory_space<hbm>>
    tpu.enqueue_dma source(%dma_start3A_25 : memref<80x125xi32, #tpu.memory_space<hbm>>) target(%arg6 : memref<80x125xi32, #tpu.memory_space<vmem>>) target_semaphore(%arg14 : memref<!tpu.dma_semaphore, #tpu.memory_space<semaphore_mem>>)
    %scan3A = arith.constant 0 : i32
    %scan3A_26 = arith.constant 0 : i32
    %scan3A_27 = arith.constant 80 : i32
    %scan3A_28 = arith.addi %scan3A_26, %scan3A_27 : i32
    %scan3A_29 = arith.constant 1 : i32
    %scan3A_30 = scf.for %scan3A_226 = %scan3A_26 to %scan3A_28 step %scan3A_29 iter_args(%scan3A_227 = %scan3A) -> (i32)  : i32 {
      %broadcast_in_dim3A = arith.constant 0.000000e+00 : f32
      %broadcast_in_dim3A_228 = vector.broadcast %broadcast_in_dim3A : f32 to vector<16xf32>
      %swap3A = arith.index_cast %scan3A_226 : i32 to index
      %swap3A_229 = arith.constant 0 : index
      %swap3A_230 = tpu.vector_load %arg10[%swap3A, %swap3A_229] {strides = array<i32>} : memref<80x64xf32, #tpu.memory_space<vmem>>, vector<1x16xf32>,
      %swap3A_231 = vector.shape_cast %swap3A_230 : vector<1x16xf32> to vector<16xf32>
      %swap3A_232 = vector.shape_cast %broadcast_in_dim3A_228 : vector<16xf32> to vector<1x16xf32>
      tpu.vector_store %arg10[%swap3A, %swap3A_229], %swap3A_232 {strides = array<i32>} : memref<80x64xf32, #tpu.memory_space<vmem>>, vector<1x16xf32>,
      %broadcast_in_dim3A_233 = arith.constant 0.000000e+00 : f32
      %broadcast_in_dim3A_234 = vector.broadcast %broadcast_in_dim3A_233 : f32 to vector<16xf32>
      %swap3A_235 = arith.index_cast %scan3A_226 : i32 to index
      %swap3A_236 = arith.constant 16 : index
      %swap3A_237 = tpu.vector_load %arg10[%swap3A_235, %swap3A_236] {strides = array<i32>} : memref<80x64xf32, #tpu.memory_space<vmem>>, vector<1x16xf32>,
      %swap3A_238 = vector.shape_cast %swap3A_237 : vector<1x16xf32> to vector<16xf32>
      %swap3A_239 = vector.shape_cast %broadcast_in_dim3A_234 : vector<16xf32> to vector<1x16xf32>
      tpu.vector_store %arg10[%swap3A_235, %swap3A_236], %swap3A_239 {strides = array<i32>} : memref<80x64xf32, #tpu.memory_space<vmem>>, vector<1x16xf32>,
      %broadcast_in_dim3A_240 = arith.constant 0.000000e+00 : f32
      %broadcast_in_dim3A_241 = vector.broadcast %broadcast_in_dim3A_240 : f32 to vector<16xf32>
      %swap3A_242 = arith.index_cast %scan3A_226 : i32 to index
      %swap3A_243 = arith.constant 32 : index
      %swap3A_244 = tpu.vector_load %arg10[%swap3A_242, %swap3A_243] {strides = array<i32>} : memref<80x64xf32, #tpu.memory_space<vmem>>, vector<1x16xf32>,
      %swap3A_245 = vector.shape_cast %swap3A_244 : vector<1x16xf32> to vector<16xf32>
      %swap3A_246 = vector.shape_cast %broadcast_in_dim3A_241 : vector<16xf32> to vector<1x16xf32>
      tpu.vector_store %arg10[%swap3A_242, %swap3A_243], %swap3A_246 {strides = array<i32>} : memref<80x64xf32, #tpu.memory_space<vmem>>, vector<1x16xf32>,
      %broadcast_in_dim3A_247 = arith.constant 0.000000e+00 : f32
      %broadcast_in_dim3A_248 = vector.broadcast %broadcast_in_dim3A_247 : f32 to vector<16xf32>
      %swap3A_249 = arith.index_cast %scan3A_226 : i32 to index
      %swap3A_250 = arith.constant 48 : index
      %swap3A_251 = tpu.vector_load %arg10[%swap3A_249, %swap3A_250] {strides = array<i32>} : memref<80x64xf32, #tpu.memory_space<vmem>>, vector<1x16xf32>,
      %swap3A_252 = vector.shape_cast %swap3A_251 : vector<1x16xf32> to vector<16xf32>
      %swap3A_253 = vector.shape_cast %broadcast_in_dim3A_248 : vector<16xf32> to vector<1x16xf32>
      tpu.vector_store %arg10[%swap3A_249, %swap3A_250], %swap3A_253 {strides = array<i32>} : memref<80x64xf32, #tpu.memory_space<vmem>>, vector<1x16xf32>,
      %scan3A_254 = arith.constant 0 : i32
      scf.yield %scan3A_254 : i32
    }
    %scan3A_31 = arith.constant 80 : i32
    %add3A_32 = arith.constant 0 : i32
    %add3A_33 = arith.addi %mul3A_2, %add3A_32 : i32
    %dma_start3A_34 = arith.constant 0 : i32
    %dma_start3A_35 = tpu.memref_slice %arg11[%add3A_33, %dma_start3A_34] : memref<10240x64xf32, #tpu.memory_space<vmem_shared>> -> memref<80x64xf32, #tpu.memory_space<vmem_shared>>
    %dma_start3A_36 = arith.constant 0 : i32
    %dma_start3A_37 = tpu.memref_slice %arg11[%add3A_33, %dma_start3A_36] : memref<10240x64xf32, #tpu.memory_space<vmem_shared>> -> memref<80x64xf32, #tpu.memory_space<vmem_shared>>
    tpu.enqueue_dma source(%arg10 : memref<80x64xf32, #tpu.memory_space<vmem>>) target(%dma_start3A_37 : memref<80x64xf32, #tpu.memory_space<vmem_shared>>) target_semaphore(%arg16 : memref<!tpu.dma_semaphore, #tpu.memory_space<semaphore_mem>>)
    %add3A_38 = arith.constant 80 : i32
    %add3A_39 = arith.addi %mul3A_2, %add3A_38 : i32
    %dma_start3A_40 = arith.constant 0 : i32
    %dma_start3A_41 = tpu.memref_slice %arg11[%add3A_39, %dma_start3A_40] : memref<10240x64xf32, #tpu.memory_space<vmem_shared>> -> memref<80x64xf32, #tpu.memory_space<vmem_shared>>
    %dma_start3A_42 = arith.constant 0 : i32
    %dma_start3A_43 = tpu.memref_slice %arg11[%add3A_39, %dma_start3A_42] : memref<10240x64xf32, #tpu.memory_space<vmem_shared>> -> memref<80x64xf32, #tpu.memory_space<vmem_shared>>
    tpu.enqueue_dma source(%arg10 : memref<80x64xf32, #tpu.memory_space<vmem>>) target(%dma_start3A_43 : memref<80x64xf32, #tpu.memory_space<vmem_shared>>) target_semaphore(%arg17 : memref<!tpu.dma_semaphore, #tpu.memory_space<semaphore_mem>>)
    %add3A_44 = arith.constant 160 : i32
    %add3A_45 = arith.addi %mul3A_2, %add3A_44 : i32
    %dma_start3A_46 = arith.constant 0 : i32
    %dma_start3A_47 = tpu.memref_slice %arg11[%add3A_45, %dma_start3A_46] : memref<10240x64xf32, #tpu.memory_space<vmem_shared>> -> memref<80x64xf32, #tpu.memory_space<vmem_shared>>
    %dma_start3A_48 = arith.constant 0 : i32
    %dma_start3A_49 = tpu.memref_slice %arg11[%add3A_45, %dma_start3A_48] : memref<10240x64xf32, #tpu.memory_space<vmem_shared>> -> memref<80x64xf32, #tpu.memory_space<vmem_shared>>
    tpu.enqueue_dma source(%arg10 : memref<80x64xf32, #tpu.memory_space<vmem>>) target(%dma_start3A_49 : memref<80x64xf32, #tpu.memory_space<vmem_shared>>) target_semaphore(%arg18 : memref<!tpu.dma_semaphore, #tpu.memory_space<semaphore_mem>>)
    %add3A_50 = arith.constant 240 : i32
    %add3A_51 = arith.addi %mul3A_2, %add3A_50 : i32
    %dma_start3A_52 = arith.constant 0 : i32
    %dma_start3A_53 = tpu.memref_slice %arg11[%add3A_51, %dma_start3A_52] : memref<10240x64xf32, #tpu.memory_space<vmem_shared>> -> memref<80x64xf32, #tpu.memory_space<vmem_shared>>
    %dma_start3A_54 = arith.constant 0 : i32
    %dma_start3A_55 = tpu.memref_slice %arg11[%add3A_51, %dma_start3A_54] : memref<10240x64xf32, #tpu.memory_space<vmem_shared>> -> memref<80x64xf32, #tpu.memory_space<vmem_shared>>
    tpu.enqueue_dma source(%arg10 : memref<80x64xf32, #tpu.memory_space<vmem>>) target(%dma_start3A_55 : memref<80x64xf32, #tpu.memory_space<vmem_shared>>) target_semaphore(%arg16 : memref<!tpu.dma_semaphore, #tpu.memory_space<semaphore_mem>>)
    %add3A_56 = arith.constant 320 : i32
    %add3A_57 = arith.addi %mul3A_2, %add3A_56 : i32
    %dma_start3A_58 = arith.constant 0 : i32
    %dma_start3A_59 = tpu.memref_slice %arg11[%add3A_57, %dma_start3A_58] : memref<10240x64xf32, #tpu.memory_space<vmem_shared>> -> memref<80x64xf32, #tpu.memory_space<vmem_shared>>
    %dma_start3A_60 = arith.constant 0 : i32
    %dma_start3A_61 = tpu.memref_slice %arg11[%add3A_57, %dma_start3A_60] : memref<10240x64xf32, #tpu.memory_space<vmem_shared>> -> memref<80x64xf32, #tpu.memory_space<vmem_shared>>
    tpu.enqueue_dma source(%arg10 : memref<80x64xf32, #tpu.memory_space<vmem>>) target(%dma_start3A_61 : memref<80x64xf32, #tpu.memory_space<vmem_shared>>) target_semaphore(%arg17 : memref<!tpu.dma_semaphore, #tpu.memory_space<semaphore_mem>>)
    %add3A_62 = arith.constant 400 : i32
    %add3A_63 = arith.addi %mul3A_2, %add3A_62 : i32
    %dma_start3A_64 = arith.constant 0 : i32
    %dma_start3A_65 = tpu.memref_slice %arg11[%add3A_63, %dma_start3A_64] : memref<10240x64xf32, #tpu.memory_space<vmem_shared>> -> memref<80x64xf32, #tpu.memory_space<vmem_shared>>
    %dma_start3A_66 = arith.constant 0 : i32
    %dma_start3A_67 = tpu.memref_slice %arg11[%add3A_63, %dma_start3A_66] : memref<10240x64xf32, #tpu.memory_space<vmem_shared>> -> memref<80x64xf32, #tpu.memory_space<vmem_shared>>
    tpu.enqueue_dma source(%arg10 : memref<80x64xf32, #tpu.memory_space<vmem>>) target(%dma_start3A_67 : memref<80x64xf32, #tpu.memory_space<vmem_shared>>) target_semaphore(%arg18 : memref<!tpu.dma_semaphore, #tpu.memory_space<semaphore_mem>>)
    %add3A_68 = arith.constant 480 : i32
    %add3A_69 = arith.addi %mul3A_2, %add3A_68 : i32
    %dma_start3A_70 = arith.constant 0 : i32
    %dma_start3A_71 = tpu.memref_slice %arg11[%add3A_69, %dma_start3A_70] : memref<10240x64xf32, #tpu.memory_space<vmem_shared>> -> memref<80x64xf32, #tpu.memory_space<vmem_shared>>
    %dma_start3A_72 = arith.constant 0 : i32
    %dma_start3A_73 = tpu.memref_slice %arg11[%add3A_69, %dma_start3A_72] : memref<10240x64xf32, #tpu.memory_space<vmem_shared>> -> memref<80x64xf32, #tpu.memory_space<vmem_shared>>
    tpu.enqueue_dma source(%arg10 : memref<80x64xf32, #tpu.memory_space<vmem>>) target(%dma_start3A_73 : memref<80x64xf32, #tpu.memory_space<vmem_shared>>) target_semaphore(%arg16 : memref<!tpu.dma_semaphore, #tpu.memory_space<semaphore_mem>>)
    %add3A_74 = arith.constant 560 : i32
    %add3A_75 = arith.addi %mul3A_2, %add3A_74 : i32
    %dma_start3A_76 = arith.constant 0 : i32
    %dma_start3A_77 = tpu.memref_slice %arg11[%add3A_75, %dma_start3A_76] : memref<10240x64xf32, #tpu.memory_space<vmem_shared>> -> memref<80x64xf32, #tpu.memory_space<vmem_shared>>
    %dma_start3A_78 = arith.constant 0 : i32
    %dma_start3A_79 = tpu.memref_slice %arg11[%add3A_75, %dma_start3A_78] : memref<10240x64xf32, #tpu.memory_space<vmem_shared>> -> memref<80x64xf32, #tpu.memory_space<vmem_shared>>
    tpu.enqueue_dma source(%arg10 : memref<80x64xf32, #tpu.memory_space<vmem>>) target(%dma_start3A_79 : memref<80x64xf32, #tpu.memory_space<vmem_shared>>) target_semaphore(%arg17 : memref<!tpu.dma_semaphore, #tpu.memory_space<semaphore_mem>>)
    %add3A_80 = arith.constant 0 : i32
    %add3A_81 = arith.addi %mul3A_2, %add3A_80 : i32
    %dma_wait3A = arith.constant 0 : i32
    %dma_wait3A_82 = tpu.memref_slice %arg11[%add3A_81, %dma_wait3A] : memref<10240x64xf32, #tpu.memory_space<vmem_shared>> -> memref<80x64xf32, #tpu.memory_space<vmem_shared>>
    %dma_wait3A_83 = arith.constant 0 : i32
    %dma_wait3A_84 = tpu.memref_slice %arg11[%add3A_81, %dma_wait3A_83] : memref<10240x64xf32, #tpu.memory_space<vmem_shared>> -> memref<80x64xf32, #tpu.memory_space<vmem_shared>>
    tpu.wait_dma2 semaphore(%arg16 : memref<!tpu.dma_semaphore, #tpu.memory_space<semaphore_mem>>) src(%arg10 : memref<80x64xf32, #tpu.memory_space<vmem>>) dst(%dma_wait3A_84 : memref<80x64xf32, #tpu.memory_space<vmem_shared>>)
    %add3A_85 = arith.constant 80 : i32
    %add3A_86 = arith.addi %mul3A_2, %add3A_85 : i32
    %dma_wait3A_87 = arith.constant 0 : i32
    %dma_wait3A_88 = tpu.memref_slice %arg11[%add3A_86, %dma_wait3A_87] : memref<10240x64xf32, #tpu.memory_space<vmem_shared>> -> memref<80x64xf32, #tpu.memory_space<vmem_shared>>
    %dma_wait3A_89 = arith.constant 0 : i32
    %dma_wait3A_90 = tpu.memref_slice %arg11[%add3A_86, %dma_wait3A_89] : memref<10240x64xf32, #tpu.memory_space<vmem_shared>> -> memref<80x64xf32, #tpu.memory_space<vmem_shared>>
    tpu.wait_dma2 semaphore(%arg17 : memref<!tpu.dma_semaphore, #tpu.memory_space<semaphore_mem>>) src(%arg10 : memref<80x64xf32, #tpu.memory_space<vmem>>) dst(%dma_wait3A_90 : memref<80x64xf32, #tpu.memory_space<vmem_shared>>)
    %add3A_91 = arith.constant 160 : i32
    %add3A_92 = arith.addi %mul3A_2, %add3A_91 : i32
    %dma_wait3A_93 = arith.constant 0 : i32
    %dma_wait3A_94 = tpu.memref_slice %arg11[%add3A_92, %dma_wait3A_93] : memref<10240x64xf32, #tpu.memory_space<vmem_shared>> -> memref<80x64xf32, #tpu.memory_space<vmem_shared>>
    %dma_wait3A_95 = arith.constant 0 : i32
    %dma_wait3A_96 = tpu.memref_slice %arg11[%add3A_92, %dma_wait3A_95] : memref<10240x64xf32, #tpu.memory_space<vmem_shared>> -> memref<80x64xf32, #tpu.memory_space<vmem_shared>>
    tpu.wait_dma2 semaphore(%arg18 : memref<!tpu.dma_semaphore, #tpu.memory_space<semaphore_mem>>) src(%arg10 : memref<80x64xf32, #tpu.memory_space<vmem>>) dst(%dma_wait3A_96 : memref<80x64xf32, #tpu.memory_space<vmem_shared>>)
    %add3A_97 = arith.constant 240 : i32
    %add3A_98 = arith.addi %mul3A_2, %add3A_97 : i32
    %dma_wait3A_99 = arith.constant 0 : i32
    %dma_wait3A_100 = tpu.memref_slice %arg11[%add3A_98, %dma_wait3A_99] : memref<10240x64xf32, #tpu.memory_space<vmem_shared>> -> memref<80x64xf32, #tpu.memory_space<vmem_shared>>
    %dma_wait3A_101 = arith.constant 0 : i32
    %dma_wait3A_102 = tpu.memref_slice %arg11[%add3A_98, %dma_wait3A_101] : memref<10240x64xf32, #tpu.memory_space<vmem_shared>> -> memref<80x64xf32, #tpu.memory_space<vmem_shared>>
    tpu.wait_dma2 semaphore(%arg16 : memref<!tpu.dma_semaphore, #tpu.memory_space<semaphore_mem>>) src(%arg10 : memref<80x64xf32, #tpu.memory_space<vmem>>) dst(%dma_wait3A_102 : memref<80x64xf32, #tpu.memory_space<vmem_shared>>)
    %add3A_103 = arith.constant 320 : i32
    %add3A_104 = arith.addi %mul3A_2, %add3A_103 : i32
    %dma_wait3A_105 = arith.constant 0 : i32
    %dma_wait3A_106 = tpu.memref_slice %arg11[%add3A_104, %dma_wait3A_105] : memref<10240x64xf32, #tpu.memory_space<vmem_shared>> -> memref<80x64xf32, #tpu.memory_space<vmem_shared>>
    %dma_wait3A_107 = arith.constant 0 : i32
    %dma_wait3A_108 = tpu.memref_slice %arg11[%add3A_104, %dma_wait3A_107] : memref<10240x64xf32, #tpu.memory_space<vmem_shared>> -> memref<80x64xf32, #tpu.memory_space<vmem_shared>>
    tpu.wait_dma2 semaphore(%arg17 : memref<!tpu.dma_semaphore, #tpu.memory_space<semaphore_mem>>) src(%arg10 : memref<80x64xf32, #tpu.memory_space<vmem>>) dst(%dma_wait3A_108 : memref<80x64xf32, #tpu.memory_space<vmem_shared>>)
    %add3A_109 = arith.constant 400 : i32
    %add3A_110 = arith.addi %mul3A_2, %add3A_109 : i32
    %dma_wait3A_111 = arith.constant 0 : i32
    %dma_wait3A_112 = tpu.memref_slice %arg11[%add3A_110, %dma_wait3A_111] : memref<10240x64xf32, #tpu.memory_space<vmem_shared>> -> memref<80x64xf32, #tpu.memory_space<vmem_shared>>
    %dma_wait3A_113 = arith.constant 0 : i32
    %dma_wait3A_114 = tpu.memref_slice %arg11[%add3A_110, %dma_wait3A_113] : memref<10240x64xf32, #tpu.memory_space<vmem_shared>> -> memref<80x64xf32, #tpu.memory_space<vmem_shared>>
    tpu.wait_dma2 semaphore(%arg18 : memref<!tpu.dma_semaphore, #tpu.memory_space<semaphore_mem>>) src(%arg10 : memref<80x64xf32, #tpu.memory_space<vmem>>) dst(%dma_wait3A_114 : memref<80x64xf32, #tpu.memory_space<vmem_shared>>)
    %add3A_115 = arith.constant 480 : i32
    %add3A_116 = arith.addi %mul3A_2, %add3A_115 : i32
    %dma_wait3A_117 = arith.constant 0 : i32
    %dma_wait3A_118 = tpu.memref_slice %arg11[%add3A_116, %dma_wait3A_117] : memref<10240x64xf32, #tpu.memory_space<vmem_shared>> -> memref<80x64xf32, #tpu.memory_space<vmem_shared>>
    %dma_wait3A_119 = arith.constant 0 : i32
    %dma_wait3A_120 = tpu.memref_slice %arg11[%add3A_116, %dma_wait3A_119] : memref<10240x64xf32, #tpu.memory_space<vmem_shared>> -> memref<80x64xf32, #tpu.memory_space<vmem_shared>>
    tpu.wait_dma2 semaphore(%arg16 : memref<!tpu.dma_semaphore, #tpu.memory_space<semaphore_mem>>) src(%arg10 : memref<80x64xf32, #tpu.memory_space<vmem>>) dst(%dma_wait3A_120 : memref<80x64xf32, #tpu.memory_space<vmem_shared>>)
    %add3A_121 = arith.constant 560 : i32
    %add3A_122 = arith.addi %mul3A_2, %add3A_121 : i32
    %dma_wait3A_123 = arith.constant 0 : i32
    %dma_wait3A_124 = tpu.memref_slice %arg11[%add3A_122, %dma_wait3A_123] : memref<10240x64xf32, #tpu.memory_space<vmem_shared>> -> memref<80x64xf32, #tpu.memory_space<vmem_shared>>
    %dma_wait3A_125 = arith.constant 0 : i32
    %dma_wait3A_126 = tpu.memref_slice %arg11[%add3A_122, %dma_wait3A_125] : memref<10240x64xf32, #tpu.memory_space<vmem_shared>> -> memref<80x64xf32, #tpu.memory_space<vmem_shared>>
    tpu.wait_dma2 semaphore(%arg17 : memref<!tpu.dma_semaphore, #tpu.memory_space<semaphore_mem>>) src(%arg10 : memref<80x64xf32, #tpu.memory_space<vmem>>) dst(%dma_wait3A_126 : memref<80x64xf32, #tpu.memory_space<vmem_shared>>)
    %mul3A_127 = arith.constant 80 : i32
    %mul3A_128 = arith.muli %add3A, %mul3A_127 : i32
    %dma_wait3A_129 = arith.constant 0 : i32
    %dma_wait3A_130 = arith.constant 0 : i32
    %dma_wait3A_131 = tpu.memref_slice %arg3[%dma_wait3A_129, %mul3A_128, %dma_wait3A_130] : memref<2x2560x125xi32, #tpu.memory_space<hbm>> -> memref<1x80x125xi32, #tpu.memory_space<hbm>>
    %dma_wait3A_132 = tpu.memref_squeeze %dma_wait3A_131 : memref<1x80x125xi32, #tpu.memory_space<hbm>> -> memref<80x125xi32, #tpu.memory_space<hbm>>
    %dma_wait3A_133 = arith.constant 0 : i32
    %dma_wait3A_134 = tpu.memref_slice %arg3[%dma_wait3A_129, %mul3A_128, %dma_wait3A_133] : memref<2x2560x125xi32, #tpu.memory_space<hbm>> -> memref<1x80x125xi32, #tpu.memory_space<hbm>>
    %dma_wait3A_135 = tpu.memref_squeeze %dma_wait3A_134 : memref<1x80x125xi32, #tpu.memory_space<hbm>> -> memref<80x125xi32, #tpu.memory_space<hbm>>
    tpu.wait_dma2 semaphore(%arg13 : memref<!tpu.dma_semaphore, #tpu.memory_space<semaphore_mem>>) src(%dma_wait3A_135 : memref<80x125xi32, #tpu.memory_space<hbm>>) dst(%arg5 : memref<80x125xi32, #tpu.memory_space<vmem>>)
    %mul3A_136 = arith.constant 80 : i32
    %mul3A_137 = arith.muli %add3A, %mul3A_136 : i32
    %dma_wait3A_138 = arith.constant 1 : i32
    %dma_wait3A_139 = arith.constant 0 : i32
    %dma_wait3A_140 = tpu.memref_slice %arg3[%dma_wait3A_138, %mul3A_137, %dma_wait3A_139] : memref<2x2560x125xi32, #tpu.memory_space<hbm>> -> memref<1x80x125xi32, #tpu.memory_space<hbm>>
    %dma_wait3A_141 = tpu.memref_squeeze %dma_wait3A_140 : memref<1x80x125xi32, #tpu.memory_space<hbm>> -> memref<80x125xi32, #tpu.memory_space<hbm>>
    %dma_wait3A_142 = arith.constant 0 : i32
    %dma_wait3A_143 = tpu.memref_slice %arg3[%dma_wait3A_138, %mul3A_137, %dma_wait3A_142] : memref<2x2560x125xi32, #tpu.memory_space<hbm>> -> memref<1x80x125xi32, #tpu.memory_space<hbm>>
    %dma_wait3A_144 = tpu.memref_squeeze %dma_wait3A_143 : memref<1x80x125xi32, #tpu.memory_space<hbm>> -> memref<80x125xi32, #tpu.memory_space<hbm>>
    tpu.wait_dma2 semaphore(%arg14 : memref<!tpu.dma_semaphore, #tpu.memory_space<semaphore_mem>>) src(%dma_wait3A_144 : memref<80x125xi32, #tpu.memory_space<hbm>>) dst(%arg6 : memref<80x125xi32, #tpu.memory_space<vmem>>)
    %lt3A_145 = arith.constant 15 : i32
    %lt3A_146 = arith.cmpi slt, %arg1, %lt3A_145 : i32
    %convert_element_type3A_147 = arith.extui %lt3A_146 : i1 to i32
    %cond3A_148 = arith.constant 0 : i32
    %cond3A_149 = arith.cmpi ne, %convert_element_type3A_147, %cond3A_148 : i32
    scf.if %cond3A_149 {
      %dma_wait3A_226 = arith.constant 0 : i32
      %dma_wait3A_227 = tpu.memref_slice %arg12[%mul3A_2, %dma_wait3A_226] : memref<10000x64xf32, #tpu.memory_space<vmem_shared>> -> memref<640x64xf32, #tpu.memory_space<vmem_shared>>
      %dma_wait3A_228 = arith.constant 0 : i32
      %dma_wait3A_229 = tpu.memref_slice %arg2[%mul3A_2, %dma_wait3A_228] : memref<10000x64xf32, #tpu.memory_space<hbm>> -> memref<640x64xf32, #tpu.memory_space<hbm>>
      tpu.wait_dma2 semaphore(%arg19 : memref<!tpu.dma_semaphore, #tpu.memory_space<semaphore_mem>>) src(%dma_wait3A_229 : memref<640x64xf32, #tpu.memory_space<hbm>>) dst(%dma_wait3A_227 : memref<640x64xf32, #tpu.memory_space<vmem_shared>>)
    } else {
    }
    %eq3A_150 = arith.constant 15 : i32
    %eq3A_151 = arith.cmpi eq, %arg1, %eq3A_150 : i32
    %convert_element_type3A_152 = arith.extui %eq3A_151 : i1 to i32
    %cond3A_153 = arith.constant 0 : i32
    %cond3A_154 = arith.cmpi ne, %convert_element_type3A_152, %cond3A_153 : i32
    scf.if %cond3A_154 {
      %dma_wait3A_226 = arith.constant 0 : i32
      %dma_wait3A_227 = tpu.memref_slice %arg12[%mul3A_2, %dma_wait3A_226] : memref<10000x64xf32, #tpu.memory_space<vmem_shared>> -> memref<400x64xf32, #tpu.memory_space<vmem_shared>>
      %dma_wait3A_228 = arith.constant 0 : i32
      %dma_wait3A_229 = tpu.memref_slice %arg2[%mul3A_2, %dma_wait3A_228] : memref<10000x64xf32, #tpu.memory_space<hbm>> -> memref<400x64xf32, #tpu.memory_space<hbm>>
      tpu.wait_dma2 semaphore(%arg19 : memref<!tpu.dma_semaphore, #tpu.memory_space<semaphore_mem>>) src(%dma_wait3A_229 : memref<400x64xf32, #tpu.memory_space<hbm>>) dst(%dma_wait3A_227 : memref<400x64xf32, #tpu.memory_space<vmem_shared>>)
    } else {
    }
    %barrier3A = arith.constant 0 : index
    tpu.barrier barrier_id(%barrier3A)
    %dma_start3A_155 = arith.constant 0 : i32
    %dma_start3A_156 = arith.constant 0 : i32
    %dma_start3A_157 = tpu.memref_slice %arg5[%dma_start3A_155, %dma_start3A_156] : memref<80x125xi32, #tpu.memory_space<vmem>> -> memref<1x125xi32, #tpu.memory_space<vmem>>
    %dma_start3A_158 = tpu.memref_squeeze %dma_start3A_157 : memref<1x125xi32, #tpu.memory_space<vmem>> -> memref<125xi32, #tpu.memory_space<vmem>>
    %dma_start3A_159 = arith.constant 0 : i32
    %dma_start3A_160 = arith.constant 0 : i32
    %dma_start3A_161 = tpu.memref_slice %arg12[%dma_start3A_159, %dma_start3A_160] : memref<10000x64xf32, #tpu.memory_space<vmem_shared>> -> memref<10000x64xf32, #tpu.memory_space<vmem_shared>>
    tpu.enqueue_indirect_dma source(%dma_start3A_161 : memref<10000x64xf32, #tpu.memory_space<vmem_shared>>) target(%arg7 : memref<125x64xf32, #tpu.memory_space<vmem>>) offsets(%dma_start3A_158 : memref<125xi32, #tpu.memory_space<vmem>>) semaphore(%arg13 : memref<!tpu.dma_semaphore, #tpu.memory_space<semaphore_mem>>)
    %dma_start3A_162 = arith.constant 1 : i32
    %dma_start3A_163 = arith.constant 0 : i32
    %dma_start3A_164 = tpu.memref_slice %arg5[%dma_start3A_162, %dma_start3A_163] : memref<80x125xi32, #tpu.memory_space<vmem>> -> memref<1x125xi32, #tpu.memory_space<vmem>>
    %dma_start3A_165 = tpu.memref_squeeze %dma_start3A_164 : memref<1x125xi32, #tpu.memory_space<vmem>> -> memref<125xi32, #tpu.memory_space<vmem>>
    %dma_start3A_166 = arith.constant 0 : i32
    %dma_start3A_167 = arith.constant 0 : i32
    %dma_start3A_168 = tpu.memref_slice %arg12[%dma_start3A_166, %dma_start3A_167] : memref<10000x64xf32, #tpu.memory_space<vmem_shared>> -> memref<10000x64xf32, #tpu.memory_space<vmem_shared>>
    tpu.enqueue_indirect_dma source(%dma_start3A_168 : memref<10000x64xf32, #tpu.memory_space<vmem_shared>>) target(%arg8 : memref<125x64xf32, #tpu.memory_space<vmem>>) offsets(%dma_start3A_165 : memref<125xi32, #tpu.memory_space<vmem>>) semaphore(%arg14 : memref<!tpu.dma_semaphore, #tpu.memory_space<semaphore_mem>>)
    %scan3A_169 = arith.constant 0 : i32
    %scan3A_170 = arith.constant 0 : i32
    %scan3A_171 = arith.constant 26 : i32
    %scan3A_172 = arith.addi %scan3A_170, %scan3A_171 : i32
    %scan3A_173 = arith.constant 1 : i32
    %scan3A_174 = scf.for %scan3A_226 = %scan3A_170 to %scan3A_172 step %scan3A_173 iter_args(%scan3A_227 = %scan3A_169) -> (i32)  : i32 {
      %mul3A_228 = arith.constant 3 : i32
      %mul3A_229 = arith.muli %scan3A_226, %mul3A_228 : i32
      %add3A_230 = arith.constant 0 : i32
      %add3A_231 = arith.addi %mul3A_229, %add3A_230 : i32
      %add3A_232 = arith.constant 2 : i32
      %add3A_233 = arith.addi %add3A_231, %add3A_232 : i32
      %lt3A_234 = arith.constant 80 : i32
      %lt3A_235 = arith.cmpi slt, %add3A_233, %lt3A_234 : i32
      %convert_element_type3A_236 = arith.extui %lt3A_235 : i1 to i32
      %cond3A_237 = arith.constant 0 : i32
      %cond3A_238 = arith.cmpi ne, %convert_element_type3A_236, %cond3A_237 : i32
      scf.if %cond3A_238 {
        %ge3A = arith.constant 1 : i32
        %ge3A_298 = arith.cmpi sge, %add3A_231, %ge3A : i32
        %convert_element_type3A_299 = arith.extui %ge3A_298 : i1 to i32
        %cond3A_300 = arith.constant 0 : i32
        %cond3A_301 = arith.cmpi ne, %convert_element_type3A_299, %cond3A_300 : i32
        scf.if %cond3A_301 {
          %sub3A = arith.constant 1 : i32
          %sub3A_310 = arith.subi %add3A_231, %sub3A : i32
          %dma_wait3A_311 = arith.constant 0 : i32
          %dma_wait3A_312 = tpu.memref_slice %arg6[%sub3A_310, %dma_wait3A_311] : memref<80x125xi32, #tpu.memory_space<vmem>> -> memref<1x125xi32, #tpu.memory_space<vmem>>
          %dma_wait3A_313 = tpu.memref_squeeze %dma_wait3A_312 : memref<1x125xi32, #tpu.memory_space<vmem>> -> memref<125xi32, #tpu.memory_space<vmem>>
          %dma_wait3A_314 = arith.constant 0 : i32
          %dma_wait3A_315 = arith.constant 0 : i32
          %dma_wait3A_316 = tpu.memref_slice %arg11[%dma_wait3A_314, %dma_wait3A_315] : memref<10240x64xf32, #tpu.memory_space<vmem_shared>> -> memref<10240x64xf32, #tpu.memory_space<vmem_shared>>
          tpu.wait_indirect_dma semaphore(%arg18 : memref<!tpu.dma_semaphore, #tpu.memory_space<semaphore_mem>>) src(%arg9 : memref<125x64xf32, #tpu.memory_space<vmem>>) dst(%dma_wait3A_316 : memref<10240x64xf32, #tpu.memory_space<vmem_shared>>)
        } else {
        }
        %add3A_302 = arith.constant 2 : i32
        %add3A_303 = arith.addi %add3A_231, %add3A_302 : i32
        %dma_start3A_304 = arith.constant 0 : i32
        %dma_start3A_305 = tpu.memref_slice %arg5[%add3A_303, %dma_start3A_304] : memref<80x125xi32, #tpu.memory_space<vmem>> -> memref<1x125xi32, #tpu.memory_space<vmem>>
        %dma_start3A_306 = tpu.memref_squeeze %dma_start3A_305 : memref<1x125xi32, #tpu.memory_space<vmem>> -> memref<125xi32, #tpu.memory_space<vmem>>
        %dma_start3A_307 = arith.constant 0 : i32
        %dma_start3A_308 = arith.constant 0 : i32
        %dma_start3A_309 = tpu.memref_slice %arg12[%dma_start3A_307, %dma_start3A_308] : memref<10000x64xf32, #tpu.memory_space<vmem_shared>> -> memref<10000x64xf32, #tpu.memory_space<vmem_shared>>
        tpu.enqueue_indirect_dma source(%dma_start3A_309 : memref<10000x64xf32, #tpu.memory_space<vmem_shared>>) target(%arg9 : memref<125x64xf32, #tpu.memory_space<vmem>>) offsets(%dma_start3A_306 : memref<125xi32, #tpu.memory_space<vmem>>) semaphore(%arg15 : memref<!tpu.dma_semaphore, #tpu.memory_space<semaphore_mem>>)
      } else {
      }
      %dma_wait3A_239 = arith.constant 0 : i32
      %dma_wait3A_240 = tpu.memref_slice %arg5[%add3A_231, %dma_wait3A_239] : memref<80x125xi32, #tpu.memory_space<vmem>> -> memref<1x125xi32, #tpu.memory_space<vmem>>
      %dma_wait3A_241 = tpu.memref_squeeze %dma_wait3A_240 : memref<1x125xi32, #tpu.memory_space<vmem>> -> memref<125xi32, #tpu.memory_space<vmem>>
      %dma_wait3A_242 = arith.constant 0 : i32
      %dma_wait3A_243 = arith.constant 0 : i32
      %dma_wait3A_244 = tpu.memref_slice %arg12[%dma_wait3A_242, %dma_wait3A_243] : memref<10000x64xf32, #tpu.memory_space<vmem_shared>> -> memref<10000x64xf32, #tpu.memory_space<vmem_shared>>
      tpu.wait_indirect_dma semaphore(%arg13 : memref<!tpu.dma_semaphore, #tpu.memory_space<semaphore_mem>>) src(%dma_wait3A_244 : memref<10000x64xf32, #tpu.memory_space<vmem_shared>>) dst(%arg7 : memref<125x64xf32, #tpu.memory_space<vmem>>)
      %dma_start3A_245 = arith.constant 0 : i32
      %dma_start3A_246 = tpu.memref_slice %arg6[%add3A_231, %dma_start3A_245] : memref<80x125xi32, #tpu.memory_space<vmem>> -> memref<1x125xi32, #tpu.memory_space<vmem>>
      %dma_start3A_247 = tpu.memref_squeeze %dma_start3A_246 : memref<1x125xi32, #tpu.memory_space<vmem>> -> memref<125xi32, #tpu.memory_space<vmem>>
      %dma_start3A_248 = arith.constant 0 : i32
      %dma_start3A_249 = arith.constant 0 : i32
      %dma_start3A_250 = tpu.memref_slice %arg11[%dma_start3A_248, %dma_start3A_249] : memref<10240x64xf32, #tpu.memory_space<vmem_shared>> -> memref<10240x64xf32, #tpu.memory_space<vmem_shared>>
      tpu.enqueue_indirect_dma source(%arg7 : memref<125x64xf32, #tpu.memory_space<vmem>>) target(%dma_start3A_250 : memref<10240x64xf32, #tpu.memory_space<vmem_shared>>) offsets(%dma_start3A_247 : memref<125xi32, #tpu.memory_space<vmem>>) semaphore(%arg16 : memref<!tpu.dma_semaphore, #tpu.memory_space<semaphore_mem>>) {add = true}
      %mul3A_251 = arith.constant 3 : i32
      %mul3A_252 = arith.muli %scan3A_226, %mul3A_251 : i32
      %add3A_253 = arith.constant 1 : i32
      %add3A_254 = arith.addi %mul3A_252, %add3A_253 : i32
      %add3A_255 = arith.constant 2 : i32
      %add3A_256 = arith.addi %add3A_254, %add3A_255 : i32
      %lt3A_257 = arith.constant 80 : i32
      %lt3A_258 = arith.cmpi slt, %add3A_256, %lt3A_257 : i32
      %convert_element_type3A_259 = arith.extui %lt3A_258 : i1 to i32
      %cond3A_260 = arith.constant 0 : i32
      %cond3A_261 = arith.cmpi ne, %convert_element_type3A_259, %cond3A_260 : i32
      scf.if %cond3A_261 {
        %ge3A = arith.constant 1 : i32
        %ge3A_298 = arith.cmpi sge, %add3A_254, %ge3A : i32
        %convert_element_type3A_299 = arith.extui %ge3A_298 : i1 to i32
        %cond3A_300 = arith.constant 0 : i32
        %cond3A_301 = arith.cmpi ne, %convert_element_type3A_299, %cond3A_300 : i32
        scf.if %cond3A_301 {
          %sub3A = arith.constant 1 : i32
          %sub3A_310 = arith.subi %add3A_254, %sub3A : i32
          %dma_wait3A_311 = arith.constant 0 : i32
          %dma_wait3A_312 = tpu.memref_slice %arg6[%sub3A_310, %dma_wait3A_311] : memref<80x125xi32, #tpu.memory_space<vmem>> -> memref<1x125xi32, #tpu.memory_space<vmem>>
          %dma_wait3A_313 = tpu.memref_squeeze %dma_wait3A_312 : memref<1x125xi32, #tpu.memory_space<vmem>> -> memref<125xi32, #tpu.memory_space<vmem>>
          %dma_wait3A_314 = arith.constant 0 : i32
          %dma_wait3A_315 = arith.constant 0 : i32
          %dma_wait3A_316 = tpu.memref_slice %arg11[%dma_wait3A_314, %dma_wait3A_315] : memref<10240x64xf32, #tpu.memory_space<vmem_shared>> -> memref<10240x64xf32, #tpu.memory_space<vmem_shared>>
          tpu.wait_indirect_dma semaphore(%arg16 : memref<!tpu.dma_semaphore, #tpu.memory_space<semaphore_mem>>) src(%arg7 : memref<125x64xf32, #tpu.memory_space<vmem>>) dst(%dma_wait3A_316 : memref<10240x64xf32, #tpu.memory_space<vmem_shared>>)
        } else {
        }
        %add3A_302 = arith.constant 2 : i32
        %add3A_303 = arith.addi %add3A_254, %add3A_302 : i32
        %dma_start3A_304 = arith.constant 0 : i32
        %dma_start3A_305 = tpu.memref_slice %arg5[%add3A_303, %dma_start3A_304] : memref<80x125xi32, #tpu.memory_space<vmem>> -> memref<1x125xi32, #tpu.memory_space<vmem>>
        %dma_start3A_306 = tpu.memref_squeeze %dma_start3A_305 : memref<1x125xi32, #tpu.memory_space<vmem>> -> memref<125xi32, #tpu.memory_space<vmem>>
        %dma_start3A_307 = arith.constant 0 : i32
        %dma_start3A_308 = arith.constant 0 : i32
        %dma_start3A_309 = tpu.memref_slice %arg12[%dma_start3A_307, %dma_start3A_308] : memref<10000x64xf32, #tpu.memory_space<vmem_shared>> -> memref<10000x64xf32, #tpu.memory_space<vmem_shared>>
        tpu.enqueue_indirect_dma source(%dma_start3A_309 : memref<10000x64xf32, #tpu.memory_space<vmem_shared>>) target(%arg7 : memref<125x64xf32, #tpu.memory_space<vmem>>) offsets(%dma_start3A_306 : memref<125xi32, #tpu.memory_space<vmem>>) semaphore(%arg13 : memref<!tpu.dma_semaphore, #tpu.memory_space<semaphore_mem>>)
      } else {
      }
      %dma_wait3A_262 = arith.constant 0 : i32
      %dma_wait3A_263 = tpu.memref_slice %arg5[%add3A_254, %dma_wait3A_262] : memref<80x125xi32, #tpu.memory_space<vmem>> -> memref<1x125xi32, #tpu.memory_space<vmem>>
      %dma_wait3A_264 = tpu.memref_squeeze %dma_wait3A_263 : memref<1x125xi32, #tpu.memory_space<vmem>> -> memref<125xi32, #tpu.memory_space<vmem>>
      %dma_wait3A_265 = arith.constant 0 : i32
      %dma_wait3A_266 = arith.constant 0 : i32
      %dma_wait3A_267 = tpu.memref_slice %arg12[%dma_wait3A_265, %dma_wait3A_266] : memref<10000x64xf32, #tpu.memory_space<vmem_shared>> -> memref<10000x64xf32, #tpu.memory_space<vmem_shared>>
      tpu.wait_indirect_dma semaphore(%arg14 : memref<!tpu.dma_semaphore, #tpu.memory_space<semaphore_mem>>) src(%dma_wait3A_267 : memref<10000x64xf32, #tpu.memory_space<vmem_shared>>) dst(%arg8 : memref<125x64xf32, #tpu.memory_space<vmem>>)
      %dma_start3A_268 = arith.constant 0 : i32
      %dma_start3A_269 = tpu.memref_slice %arg6[%add3A_254, %dma_start3A_268] : memref<80x125xi32, #tpu.memory_space<vmem>> -> memref<1x125xi32, #tpu.memory_space<vmem>>
      %dma_start3A_270 = tpu.memref_squeeze %dma_start3A_269 : memref<1x125xi32, #tpu.memory_space<vmem>> -> memref<125xi32, #tpu.memory_space<vmem>>
      %dma_start3A_271 = arith.constant 0 : i32
      %dma_start3A_272 = arith.constant 0 : i32
      %dma_start3A_273 = tpu.memref_slice %arg11[%dma_start3A_271, %dma_start3A_272] : memref<10240x64xf32, #tpu.memory_space<vmem_shared>> -> memref<10240x64xf32, #tpu.memory_space<vmem_shared>>
      tpu.enqueue_indirect_dma source(%arg8 : memref<125x64xf32, #tpu.memory_space<vmem>>) target(%dma_start3A_273 : memref<10240x64xf32, #tpu.memory_space<vmem_shared>>) offsets(%dma_start3A_270 : memref<125xi32, #tpu.memory_space<vmem>>) semaphore(%arg17 : memref<!tpu.dma_semaphore, #tpu.memory_space<semaphore_mem>>) {add = true}
      %mul3A_274 = arith.constant 3 : i32
      %mul3A_275 = arith.muli %scan3A_226, %mul3A_274 : i32
      %add3A_276 = arith.constant 2 : i32
      %add3A_277 = arith.addi %mul3A_275, %add3A_276 : i32
      %add3A_278 = arith.constant 2 : i32
      %add3A_279 = arith.addi %add3A_277, %add3A_278 : i32
      %lt3A_280 = arith.constant 80 : i32
      %lt3A_281 = arith.cmpi slt, %add3A_279, %lt3A_280 : i32
      %convert_element_type3A_282 = arith.extui %lt3A_281 : i1 to i32
      %cond3A_283 = arith.constant 0 : i32
      %cond3A_284 = arith.cmpi ne, %convert_element_type3A_282, %cond3A_283 : i32
      scf.if %cond3A_284 {
        %ge3A = arith.constant 1 : i32
        %ge3A_298 = arith.cmpi sge, %add3A_277, %ge3A : i32
        %convert_element_type3A_299 = arith.extui %ge3A_298 : i1 to i32
        %cond3A_300 = arith.constant 0 : i32
        %cond3A_301 = arith.cmpi ne, %convert_element_type3A_299, %cond3A_300 : i32
        scf.if %cond3A_301 {
          %sub3A = arith.constant 1 : i32
          %sub3A_310 = arith.subi %add3A_277, %sub3A : i32
          %dma_wait3A_311 = arith.constant 0 : i32
          %dma_wait3A_312 = tpu.memref_slice %arg6[%sub3A_310, %dma_wait3A_311] : memref<80x125xi32, #tpu.memory_space<vmem>> -> memref<1x125xi32, #tpu.memory_space<vmem>>
          %dma_wait3A_313 = tpu.memref_squeeze %dma_wait3A_312 : memref<1x125xi32, #tpu.memory_space<vmem>> -> memref<125xi32, #tpu.memory_space<vmem>>
          %dma_wait3A_314 = arith.constant 0 : i32
          %dma_wait3A_315 = arith.constant 0 : i32
          %dma_wait3A_316 = tpu.memref_slice %arg11[%dma_wait3A_314, %dma_wait3A_315] : memref<10240x64xf32, #tpu.memory_space<vmem_shared>> -> memref<10240x64xf32, #tpu.memory_space<vmem_shared>>
          tpu.wait_indirect_dma semaphore(%arg17 : memref<!tpu.dma_semaphore, #tpu.memory_space<semaphore_mem>>) src(%arg8 : memref<125x64xf32, #tpu.memory_space<vmem>>) dst(%dma_wait3A_316 : memref<10240x64xf32, #tpu.memory_space<vmem_shared>>)
        } else {
        }
        %add3A_302 = arith.constant 2 : i32
        %add3A_303 = arith.addi %add3A_277, %add3A_302 : i32
        %dma_start3A_304 = arith.constant 0 : i32
        %dma_start3A_305 = tpu.memref_slice %arg5[%add3A_303, %dma_start3A_304] : memref<80x125xi32, #tpu.memory_space<vmem>> -> memref<1x125xi32, #tpu.memory_space<vmem>>
        %dma_start3A_306 = tpu.memref_squeeze %dma_start3A_305 : memref<1x125xi32, #tpu.memory_space<vmem>> -> memref<125xi32, #tpu.memory_space<vmem>>
        %dma_start3A_307 = arith.constant 0 : i32
        %dma_start3A_308 = arith.constant 0 : i32
        %dma_start3A_309 = tpu.memref_slice %arg12[%dma_start3A_307, %dma_start3A_308] : memref<10000x64xf32, #tpu.memory_space<vmem_shared>> -> memref<10000x64xf32, #tpu.memory_space<vmem_shared>>
        tpu.enqueue_indirect_dma source(%dma_start3A_309 : memref<10000x64xf32, #tpu.memory_space<vmem_shared>>) target(%arg8 : memref<125x64xf32, #tpu.memory_space<vmem>>) offsets(%dma_start3A_306 : memref<125xi32, #tpu.memory_space<vmem>>) semaphore(%arg14 : memref<!tpu.dma_semaphore, #tpu.memory_space<semaphore_mem>>)
      } else {
      }
      %dma_wait3A_285 = arith.constant 0 : i32
      %dma_wait3A_286 = tpu.memref_slice %arg5[%add3A_277, %dma_wait3A_285] : memref<80x125xi32, #tpu.memory_space<vmem>> -> memref<1x125xi32, #tpu.memory_space<vmem>>
      %dma_wait3A_287 = tpu.memref_squeeze %dma_wait3A_286 : memref<1x125xi32, #tpu.memory_space<vmem>> -> memref<125xi32, #tpu.memory_space<vmem>>
      %dma_wait3A_288 = arith.constant 0 : i32
      %dma_wait3A_289 = arith.constant 0 : i32
      %dma_wait3A_290 = tpu.memref_slice %arg12[%dma_wait3A_288, %dma_wait3A_289] : memref<10000x64xf32, #tpu.memory_space<vmem_shared>> -> memref<10000x64xf32, #tpu.memory_space<vmem_shared>>
      tpu.wait_indirect_dma semaphore(%arg15 : memref<!tpu.dma_semaphore, #tpu.memory_space<semaphore_mem>>) src(%dma_wait3A_290 : memref<10000x64xf32, #tpu.memory_space<vmem_shared>>) dst(%arg9 : memref<125x64xf32, #tpu.memory_space<vmem>>)
      %dma_start3A_291 = arith.constant 0 : i32
      %dma_start3A_292 = tpu.memref_slice %arg6[%add3A_277, %dma_start3A_291] : memref<80x125xi32, #tpu.memory_space<vmem>> -> memref<1x125xi32, #tpu.memory_space<vmem>>
      %dma_start3A_293 = tpu.memref_squeeze %dma_start3A_292 : memref<1x125xi32, #tpu.memory_space<vmem>> -> memref<125xi32, #tpu.memory_space<vmem>>
      %dma_start3A_294 = arith.constant 0 : i32
      %dma_start3A_295 = arith.constant 0 : i32
      %dma_start3A_296 = tpu.memref_slice %arg11[%dma_start3A_294, %dma_start3A_295] : memref<10240x64xf32, #tpu.memory_space<vmem_shared>> -> memref<10240x64xf32, #tpu.memory_space<vmem_shared>>
      tpu.enqueue_indirect_dma source(%arg9 : memref<125x64xf32, #tpu.memory_space<vmem>>) target(%dma_start3A_296 : memref<10240x64xf32, #tpu.memory_space<vmem_shared>>) offsets(%dma_start3A_293 : memref<125xi32, #tpu.memory_space<vmem>>) semaphore(%arg18 : memref<!tpu.dma_semaphore, #tpu.memory_space<semaphore_mem>>) {add = true}
      %scan3A_297 = arith.constant 0 : i32
      scf.yield %scan3A_297 : i32
    }
    %scan3A_175 = arith.constant 26 : i32
    %dma_wait3A_176 = arith.constant 78 : i32
    %dma_wait3A_177 = arith.constant 0 : i32
    %dma_wait3A_178 = tpu.memref_slice %arg5[%dma_wait3A_176, %dma_wait3A_177] : memref<80x125xi32, #tpu.memory_space<vmem>> -> memref<1x125xi32, #tpu.memory_space<vmem>>
    %dma_wait3A_179 = tpu.memref_squeeze %dma_wait3A_178 : memref<1x125xi32, #tpu.memory_space<vmem>> -> memref<125xi32, #tpu.memory_space<vmem>>
    %dma_wait3A_180 = arith.constant 0 : i32
    %dma_wait3A_181 = arith.constant 0 : i32
    %dma_wait3A_182 = tpu.memref_slice %arg12[%dma_wait3A_180, %dma_wait3A_181] : memref<10000x64xf32, #tpu.memory_space<vmem_shared>> -> memref<10000x64xf32, #tpu.memory_space<vmem_shared>>
    tpu.wait_indirect_dma semaphore(%arg13 : memref<!tpu.dma_semaphore, #tpu.memory_space<semaphore_mem>>) src(%dma_wait3A_182 : memref<10000x64xf32, #tpu.memory_space<vmem_shared>>) dst(%arg7 : memref<125x64xf32, #tpu.memory_space<vmem>>)
    %dma_start3A_183 = arith.constant 78 : i32
    %dma_start3A_184 = arith.constant 0 : i32
    %dma_start3A_185 = tpu.memref_slice %arg6[%dma_start3A_183, %dma_start3A_184] : memref<80x125xi32, #tpu.memory_space<vmem>> -> memref<1x125xi32, #tpu.memory_space<vmem>>
    %dma_start3A_186 = tpu.memref_squeeze %dma_start3A_185 : memref<1x125xi32, #tpu.memory_space<vmem>> -> memref<125xi32, #tpu.memory_space<vmem>>
    %dma_start3A_187 = arith.constant 0 : i32
    %dma_start3A_188 = arith.constant 0 : i32
    %dma_start3A_189 = tpu.memref_slice %arg11[%dma_start3A_187, %dma_start3A_188] : memref<10240x64xf32, #tpu.memory_space<vmem_shared>> -> memref<10240x64xf32, #tpu.memory_space<vmem_shared>>
    tpu.enqueue_indirect_dma source(%arg7 : memref<125x64xf32, #tpu.memory_space<vmem>>) target(%dma_start3A_189 : memref<10240x64xf32, #tpu.memory_space<vmem_shared>>) offsets(%dma_start3A_186 : memref<125xi32, #tpu.memory_space<vmem>>) semaphore(%arg16 : memref<!tpu.dma_semaphore, #tpu.memory_space<semaphore_mem>>) {add = true}
    %dma_wait3A_190 = arith.constant 79 : i32
    %dma_wait3A_191 = arith.constant 0 : i32
    %dma_wait3A_192 = tpu.memref_slice %arg5[%dma_wait3A_190, %dma_wait3A_191] : memref<80x125xi32, #tpu.memory_space<vmem>> -> memref<1x125xi32, #tpu.memory_space<vmem>>
    %dma_wait3A_193 = tpu.memref_squeeze %dma_wait3A_192 : memref<1x125xi32, #tpu.memory_space<vmem>> -> memref<125xi32, #tpu.memory_space<vmem>>
    %dma_wait3A_194 = arith.constant 0 : i32
    %dma_wait3A_195 = arith.constant 0 : i32
    %dma_wait3A_196 = tpu.memref_slice %arg12[%dma_wait3A_194, %dma_wait3A_195] : memref<10000x64xf32, #tpu.memory_space<vmem_shared>> -> memref<10000x64xf32, #tpu.memory_space<vmem_shared>>
    tpu.wait_indirect_dma semaphore(%arg14 : memref<!tpu.dma_semaphore, #tpu.memory_space<semaphore_mem>>) src(%dma_wait3A_196 : memref<10000x64xf32, #tpu.memory_space<vmem_shared>>) dst(%arg8 : memref<125x64xf32, #tpu.memory_space<vmem>>)
    %dma_start3A_197 = arith.constant 79 : i32
    %dma_start3A_198 = arith.constant 0 : i32
    %dma_start3A_199 = tpu.memref_slice %arg6[%dma_start3A_197, %dma_start3A_198] : memref<80x125xi32, #tpu.memory_space<vmem>> -> memref<1x125xi32, #tpu.memory_space<vmem>>
    %dma_start3A_200 = tpu.memref_squeeze %dma_start3A_199 : memref<1x125xi32, #tpu.memory_space<vmem>> -> memref<125xi32, #tpu.memory_space<vmem>>
    %dma_start3A_201 = arith.constant 0 : i32
    %dma_start3A_202 = arith.constant 0 : i32
    %dma_start3A_203 = tpu.memref_slice %arg11[%dma_start3A_201, %dma_start3A_202] : memref<10240x64xf32, #tpu.memory_space<vmem_shared>> -> memref<10240x64xf32, #tpu.memory_space<vmem_shared>>
    tpu.enqueue_indirect_dma source(%arg8 : memref<125x64xf32, #tpu.memory_space<vmem>>) target(%dma_start3A_203 : memref<10240x64xf32, #tpu.memory_space<vmem_shared>>) offsets(%dma_start3A_200 : memref<125xi32, #tpu.memory_space<vmem>>) semaphore(%arg17 : memref<!tpu.dma_semaphore, #tpu.memory_space<semaphore_mem>>) {add = true}
    %dma_wait3A_204 = arith.constant 77 : i32
    %dma_wait3A_205 = arith.constant 0 : i32
    %dma_wait3A_206 = tpu.memref_slice %arg6[%dma_wait3A_204, %dma_wait3A_205] : memref<80x125xi32, #tpu.memory_space<vmem>> -> memref<1x125xi32, #tpu.memory_space<vmem>>
    %dma_wait3A_207 = tpu.memref_squeeze %dma_wait3A_206 : memref<1x125xi32, #tpu.memory_space<vmem>> -> memref<125xi32, #tpu.memory_space<vmem>>
    %dma_wait3A_208 = arith.constant 0 : i32
    %dma_wait3A_209 = arith.constant 0 : i32
    %dma_wait3A_210 = tpu.memref_slice %arg11[%dma_wait3A_208, %dma_wait3A_209] : memref<10240x64xf32, #tpu.memory_space<vmem_shared>> -> memref<10240x64xf32, #tpu.memory_space<vmem_shared>>
    tpu.wait_indirect_dma semaphore(%arg18 : memref<!tpu.dma_semaphore, #tpu.memory_space<semaphore_mem>>) src(%arg9 : memref<125x64xf32, #tpu.memory_space<vmem>>) dst(%dma_wait3A_210 : memref<10240x64xf32, #tpu.memory_space<vmem_shared>>)
    %dma_wait3A_211 = arith.constant 78 : i32
    %dma_wait3A_212 = arith.constant 0 : i32
    %dma_wait3A_213 = tpu.memref_slice %arg6[%dma_wait3A_211, %dma_wait3A_212] : memref<80x125xi32, #tpu.memory_space<vmem>> -> memref<1x125xi32, #tpu.memory_space<vmem>>
    %dma_wait3A_214 = tpu.memref_squeeze %dma_wait3A_213 : memref<1x125xi32, #tpu.memory_space<vmem>> -> memref<125xi32, #tpu.memory_space<vmem>>
    %dma_wait3A_215 = arith.constant 0 : i32
    %dma_wait3A_216 = arith.constant 0 : i32
    %dma_wait3A_217 = tpu.memref_slice %arg11[%dma_wait3A_215, %dma_wait3A_216] : memref<10240x64xf32, #tpu.memory_space<vmem_shared>> -> memref<10240x64xf32, #tpu.memory_space<vmem_shared>>
    tpu.wait_indirect_dma semaphore(%arg16 : memref<!tpu.dma_semaphore, #tpu.memory_space<semaphore_mem>>) src(%arg7 : memref<125x64xf32, #tpu.memory_space<vmem>>) dst(%dma_wait3A_217 : memref<10240x64xf32, #tpu.memory_space<vmem_shared>>)
    %dma_wait3A_218 = arith.constant 79 : i32
    %dma_wait3A_219 = arith.constant 0 : i32
    %dma_wait3A_220 = tpu.memref_slice %arg6[%dma_wait3A_218, %dma_wait3A_219] : memref<80x125xi32, #tpu.memory_space<vmem>> -> memref<1x125xi32, #tpu.memory_space<vmem>>
    %dma_wait3A_221 = tpu.memref_squeeze %dma_wait3A_220 : memref<1x125xi32, #tpu.memory_space<vmem>> -> memref<125xi32, #tpu.memory_space<vmem>>
    %dma_wait3A_222 = arith.constant 0 : i32
    %dma_wait3A_223 = arith.constant 0 : i32
    %dma_wait3A_224 = tpu.memref_slice %arg11[%dma_wait3A_222, %dma_wait3A_223] : memref<10240x64xf32, #tpu.memory_space<vmem_shared>> -> memref<10240x64xf32, #tpu.memory_space<vmem_shared>>
    tpu.wait_indirect_dma semaphore(%arg17 : memref<!tpu.dma_semaphore, #tpu.memory_space<semaphore_mem>>) src(%arg8 : memref<125x64xf32, #tpu.memory_space<vmem>>) dst(%dma_wait3A_224 : memref<10240x64xf32, #tpu.memory_space<vmem_shared>>)
    %barrier3A_225 = arith.constant 0 : index
    tpu.barrier barrier_id(%barrier3A_225)
    "tpu.region"() ({
      %run_scoped3A = tpu.sem_alloc : memref<!tpu.dma_semaphore, #tpu.memory_space<semaphore_mem>>
      %dma_start3A_226 = arith.constant 0 : i32
      %dma_start3A_227 = tpu.memref_slice %arg4[%arg0, %mul3A_2, %dma_start3A_226] : memref<2x10240x64xf32, #tpu.memory_space<hbm>> -> memref<1x640x64xf32, #tpu.memory_space<hbm>>
      %dma_start3A_228 = tpu.memref_squeeze %dma_start3A_227 : memref<1x640x64xf32, #tpu.memory_space<hbm>> -> memref<640x64xf32, #tpu.memory_space<hbm>>
      %dma_start3A_229 = arith.constant 0 : i32
      %dma_start3A_230 = tpu.memref_slice %arg11[%mul3A_2, %dma_start3A_229] : memref<10240x64xf32, #tpu.memory_space<vmem_shared>> -> memref<640x64xf32, #tpu.memory_space<vmem_shared>>
      tpu.enqueue_dma source(%dma_start3A_230 : memref<640x64xf32, #tpu.memory_space<vmem_shared>>) target(%dma_start3A_228 : memref<640x64xf32, #tpu.memory_space<hbm>>) target_semaphore(%run_scoped3A : memref<!tpu.dma_semaphore, #tpu.memory_space<semaphore_mem>>)
      %dma_wait3A_231 = arith.constant 0 : i32
      %dma_wait3A_232 = tpu.memref_slice %arg4[%arg0, %mul3A_2, %dma_wait3A_231] : memref<2x10240x64xf32, #tpu.memory_space<hbm>> -> memref<1x640x64xf32, #tpu.memory_space<hbm>>
      %dma_wait3A_233 = tpu.memref_squeeze %dma_wait3A_232 : memref<1x640x64xf32, #tpu.memory_space<hbm>> -> memref<640x64xf32, #tpu.memory_space<hbm>>
      %dma_wait3A_234 = arith.constant 0 : i32
      %dma_wait3A_235 = tpu.memref_slice %arg11[%mul3A_2, %dma_wait3A_234] : memref<10240x64xf32, #tpu.memory_space<vmem_shared>> -> memref<640x64xf32, #tpu.memory_space<vmem_shared>>
      tpu.wait_dma2 semaphore(%run_scoped3A : memref<!tpu.dma_semaphore, #tpu.memory_space<semaphore_mem>>) src(%dma_wait3A_235 : memref<640x64xf32, #tpu.memory_space<vmem_shared>>) dst(%dma_wait3A_233 : memref<640x64xf32, #tpu.memory_space<hbm>>)
      tpu.yield
    }) : () -> ()
    return
  }
}

module attributes {stable_mosaic.version = 14 : i64} {
  func.func @_mm1_body(%arg0: i32, %arg1: memref<2000x128xf32, #tpu.memory_space<vmem>>, %arg2: memref<128x64xf32, #tpu.memory_space<vmem>>, %arg3: memref<2000x64xf32, #tpu.memory_space<vmem>>) attributes {dimension_semantics = [#tpu.dimension_semantics<arbitrary>], iteration_bounds = array<i64: 5>, scalar_prefetch = 0 : i64, scratch_operands = 0 : i64, tpu.core_type = #tpu.core_type<tc>, window_params = [{transform_indices = @transform_0, window_bounds = array<i64: 2000, 128>}, {pipeline_mode = #tpu.pipeline_mode<synchronous>, transform_indices = @transform_1, window_bounds = array<i64: 128, 64>}, {transform_indices = @transform_2, window_bounds = array<i64: 2000, 64>}]} {
    %get3A = arith.constant 0 : index
    %get3A_0 = arith.constant 0 : index
    %get3A_1 = vector.load %arg1[%get3A, %get3A_0] : memref<2000x128xf32, #tpu.memory_space<vmem>>, vector<2000x128xf32>
    %get3A_2 = arith.constant 0 : index
    %get3A_3 = arith.constant 0 : index
    %get3A_4 = vector.load %arg2[%get3A_2, %get3A_3] : memref<128x64xf32, #tpu.memory_space<vmem>>, vector<128x64xf32>
    %dot_general3A = arith.constant dense<0.000000e+00> : vector<2000x64xf32>
    %dot_general3A_5 = tpu.matmul %get3A_1, %get3A_4, %dot_general3A {dimension_numbers = #tpu.dot_dimension_numbers<[1], [0], [0], [1], [0, 0, 1, 1], [], []>, transpose_lhs_hint = false} : vector<2000x128xf32>, vector<128x64xf32>, vector<2000x64xf32> -> vector<2000x64xf32>
    %swap3A = arith.constant 0 : index
    %swap3A_6 = arith.constant 0 : index
    %swap3A_7 = vector.load %arg3[%swap3A, %swap3A_6] : memref<2000x64xf32, #tpu.memory_space<vmem>>, vector<2000x64xf32>
    tpu.vector_store %arg3[%swap3A, %swap3A_6], %dot_general3A_5 {strides = array<i32>} : memref<2000x64xf32, #tpu.memory_space<vmem>>, vector<2000x64xf32>,
    return
  }
  func.func @transform_0(%arg0: i32) -> (i32, i32) {
    %c0_i32 = arith.constant 0 : i32
    %c0_i32_0 = arith.constant 0 : i32
    return %arg0, %c0_i32 : i32, i32
  }
  func.func @transform_1(%arg0: i32) -> (i32, i32) {
    %c0_i32 = arith.constant 0 : i32
    %c0_i32_0 = arith.constant 0 : i32
    %c0_i32_1 = arith.constant 0 : i32
    return %c0_i32, %c0_i32_0 : i32, i32
  }
  func.func @transform_2(%arg0: i32) -> (i32, i32) {
    %c0_i32 = arith.constant 0 : i32
    %c0_i32_0 = arith.constant 0 : i32
    return %arg0, %c0_i32 : i32, i32
  }
}

module attributes {stable_mosaic.version = 14 : i64} {
  func.func @_relu_body(%arg0: i32, %arg1: memref<1000x128xf32, #tpu.memory_space<vmem>>, %arg2: memref<1x1000x128xf32, #tpu.memory_space<vmem>>, %arg3: memref<1x1000x128xf32, #tpu.memory_space<vmem>>, %arg4: memref<1x128xf32, #tpu.memory_space<vmem>>, %arg5: memref<1000x128xf32, #tpu.memory_space<vmem>>) attributes {dimension_semantics = [#tpu.dimension_semantics<arbitrary>], iteration_bounds = array<i64: 5>, scalar_prefetch = 0 : i64, scratch_operands = 0 : i64, tpu.core_type = #tpu.core_type<tc>, window_params = [{transform_indices = @transform_0, window_bounds = array<i64: 1000, 128>}, {transform_indices = @transform_1, window_bounds = array<i64: 1, 1000, 128>}, {transform_indices = @transform_2, window_bounds = array<i64: 1, 1000, 128>}, {pipeline_mode = #tpu.pipeline_mode<synchronous>, transform_indices = @transform_3, window_bounds = array<i64: 1, 128>}, {transform_indices = @transform_4, window_bounds = array<i64: 1000, 128>}]} {
    %get3A = arith.constant 0 : index
    %get3A_0 = arith.constant 0 : index
    %get3A_1 = vector.load %arg1[%get3A, %get3A_0] : memref<1000x128xf32, #tpu.memory_space<vmem>>, vector<1000x128xf32>
    %get3A_2 = arith.constant 0 : index
    %get3A_3 = arith.constant 0 : index
    %get3A_4 = arith.constant 0 : index
    %get3A_5 = vector.load %arg2[%get3A_2, %get3A_3, %get3A_4] : memref<1x1000x128xf32, #tpu.memory_space<vmem>>, vector<1x1000x128xf32>
    %get3A_6 = vector.shape_cast %get3A_5 : vector<1x1000x128xf32> to vector<1000x128xf32>
    %add3A = arith.addf %get3A_1, %get3A_6 : vector<1000x128xf32>
    %get3A_7 = arith.constant 0 : index
    %get3A_8 = arith.constant 0 : index
    %get3A_9 = arith.constant 0 : index
    %get3A_10 = vector.load %arg3[%get3A_7, %get3A_8, %get3A_9] : memref<1x1000x128xf32, #tpu.memory_space<vmem>>, vector<1x1000x128xf32>
    %get3A_11 = vector.shape_cast %get3A_10 : vector<1x1000x128xf32> to vector<1000x128xf32>
    %add3A_12 = arith.addf %add3A, %get3A_11 : vector<1000x128xf32>
    %get3A_13 = arith.constant 0 : index
    %get3A_14 = arith.constant 0 : index
    %get3A_15 = vector.load %arg4[%get3A_13, %get3A_14] : memref<1x128xf32, #tpu.memory_space<vmem>>, vector<1x128xf32>
    %add3A_16 = vector.broadcast %get3A_15 : vector<1x128xf32> to vector<1000x128xf32>
    %add3A_17 = arith.addf %add3A_12, %add3A_16 : vector<1000x128xf32>
    %max3A = arith.constant 0.000000e+00 : f32
    %max3A_18 = vector.broadcast %max3A : f32 to vector<1000x128xf32>
    %max3A_19 = arith.maximumf %add3A_17, %max3A_18 : vector<1000x128xf32>
    %swap3A = arith.constant 0 : index
    %swap3A_20 = arith.constant 0 : index
    %swap3A_21 = vector.load %arg5[%swap3A, %swap3A_20] : memref<1000x128xf32, #tpu.memory_space<vmem>>, vector<1000x128xf32>
    tpu.vector_store %arg5[%swap3A, %swap3A_20], %max3A_19 {strides = array<i32>} : memref<1000x128xf32, #tpu.memory_space<vmem>>, vector<1000x128xf32>,
    return
  }
  func.func @transform_0(%arg0: i32) -> (i32, i32) {
    %c0_i32 = arith.constant 0 : i32
    %c0_i32_0 = arith.constant 0 : i32
    return %arg0, %c0_i32 : i32, i32
  }
  func.func @transform_1(%arg0: i32) -> (i32, i32, i32) {
    %c0_i32 = arith.constant 0 : i32
    %c0_i32_0 = arith.constant 0 : i32
    %c0_i32_1 = arith.constant 0 : i32
    return %c0_i32, %arg0, %c0_i32_0 : i32, i32, i32
  }
  func.func @transform_2(%arg0: i32) -> (i32, i32, i32) {
    %c1_i32 = arith.constant 1 : i32
    %c0_i32 = arith.constant 0 : i32
    %c0_i32_0 = arith.constant 0 : i32
    return %c1_i32, %arg0, %c0_i32 : i32, i32, i32
  }
  func.func @transform_3(%arg0: i32) -> (i32, i32) {
    %c0_i32 = arith.constant 0 : i32
    %c0_i32_0 = arith.constant 0 : i32
    %c0_i32_1 = arith.constant 0 : i32
    return %c0_i32, %c0_i32_0 : i32, i32
  }
  func.func @transform_4(%arg0: i32) -> (i32, i32) {
    %c0_i32 = arith.constant 0 : i32
    %c0_i32_0 = arith.constant 0 : i32
    return %arg0, %c0_i32 : i32, i32
  }
}

module attributes {stable_mosaic.version = 14 : i64} {
  func.func @_out_body(%arg0: i32, %arg1: memref<1000x128xf32, #tpu.memory_space<vmem>>, %arg2: memref<1x1000x128xf32, #tpu.memory_space<vmem>>, %arg3: memref<1x1000x128xf32, #tpu.memory_space<vmem>>, %arg4: memref<128x128xf32, #tpu.memory_space<vmem>>, %arg5: memref<128x128xf32, #tpu.memory_space<vmem>>, %arg6: memref<1x128xf32, #tpu.memory_space<vmem>>, %arg7: memref<2000x128xf32, #tpu.memory_space<vmem>>) attributes {dimension_semantics = [#tpu.dimension_semantics<arbitrary>], iteration_bounds = array<i64: 5>, scalar_prefetch = 0 : i64, scratch_operands = 0 : i64, tpu.core_type = #tpu.core_type<tc>, window_params = [{transform_indices = @transform_0, window_bounds = array<i64: 1000, 128>}, {transform_indices = @transform_1, window_bounds = array<i64: 1, 1000, 128>}, {transform_indices = @transform_2, window_bounds = array<i64: 1, 1000, 128>}, {pipeline_mode = #tpu.pipeline_mode<synchronous>, transform_indices = @transform_3, window_bounds = array<i64: 128, 128>}, {pipeline_mode = #tpu.pipeline_mode<synchronous>, transform_indices = @transform_4, window_bounds = array<i64: 128, 128>}, {pipeline_mode = #tpu.pipeline_mode<synchronous>, transform_indices = @transform_5, window_bounds = array<i64: 1, 128>}, {transform_indices = @transform_6, window_bounds = array<i64: 2000, 128>}]} {
    %get3A = arith.constant 0 : index
    %get3A_0 = arith.constant 0 : index
    %get3A_1 = vector.load %arg1[%get3A, %get3A_0] : memref<1000x128xf32, #tpu.memory_space<vmem>>, vector<1000x128xf32>
    %get3A_2 = arith.constant 0 : index
    %get3A_3 = arith.constant 0 : index
    %get3A_4 = arith.constant 0 : index
    %get3A_5 = vector.load %arg2[%get3A_2, %get3A_3, %get3A_4] : memref<1x1000x128xf32, #tpu.memory_space<vmem>>, vector<1x1000x128xf32>
    %get3A_6 = vector.shape_cast %get3A_5 : vector<1x1000x128xf32> to vector<1000x128xf32>
    %add3A = arith.addf %get3A_1, %get3A_6 : vector<1000x128xf32>
    %get3A_7 = arith.constant 0 : index
    %get3A_8 = arith.constant 0 : index
    %get3A_9 = arith.constant 0 : index
    %get3A_10 = vector.load %arg3[%get3A_7, %get3A_8, %get3A_9] : memref<1x1000x128xf32, #tpu.memory_space<vmem>>, vector<1x1000x128xf32>
    %get3A_11 = vector.shape_cast %get3A_10 : vector<1x1000x128xf32> to vector<1000x128xf32>
    %add3A_12 = arith.addf %add3A, %get3A_11 : vector<1000x128xf32>
    %get3A_13 = arith.constant 0 : index
    %get3A_14 = arith.constant 0 : index
    %get3A_15 = vector.load %arg4[%get3A_13, %get3A_14] : memref<128x128xf32, #tpu.memory_space<vmem>>, vector<128x128xf32>
    %dot_general3A = arith.constant dense<0.000000e+00> : vector<1000x128xf32>
    %dot_general3A_16 = tpu.matmul %add3A_12, %get3A_15, %dot_general3A {dimension_numbers = #tpu.dot_dimension_numbers<[1], [0], [0], [1], [0, 0, 1, 1], [], []>, transpose_lhs_hint = false} : vector<1000x128xf32>, vector<128x128xf32>, vector<1000x128xf32> -> vector<1000x128xf32>
    %get3A_17 = arith.constant 0 : index
    %get3A_18 = arith.constant 0 : index
    %get3A_19 = vector.load %arg6[%get3A_17, %get3A_18] : memref<1x128xf32, #tpu.memory_space<vmem>>, vector<1x128xf32>
    %add3A_20 = vector.broadcast %get3A_19 : vector<1x128xf32> to vector<1000x128xf32>
    %add3A_21 = arith.addf %dot_general3A_16, %add3A_20 : vector<1000x128xf32>
    %get3A_22 = arith.constant 0 : index
    %get3A_23 = arith.constant 0 : index
    %get3A_24 = vector.load %arg5[%get3A_22, %get3A_23] : memref<128x128xf32, #tpu.memory_space<vmem>>, vector<128x128xf32>
    %dot_general3A_25 = arith.constant dense<0.000000e+00> : vector<1000x128xf32>
    %dot_general3A_26 = tpu.matmul %add3A_12, %get3A_24, %dot_general3A_25 {dimension_numbers = #tpu.dot_dimension_numbers<[1], [0], [0], [1], [0, 0, 1, 1], [], []>, transpose_lhs_hint = false} : vector<1000x128xf32>, vector<128x128xf32>, vector<1000x128xf32> -> vector<1000x128xf32>
    %get3A_27 = arith.constant 0 : index
    %get3A_28 = arith.constant 0 : index
    %get3A_29 = vector.load %arg6[%get3A_27, %get3A_28] : memref<1x128xf32, #tpu.memory_space<vmem>>, vector<1x128xf32>
    %add3A_30 = vector.broadcast %get3A_29 : vector<1x128xf32> to vector<1000x128xf32>
    %add3A_31 = arith.addf %dot_general3A_26, %add3A_30 : vector<1000x128xf32>
    %stack3A = vector.shape_cast %add3A_21 : vector<1000x128xf32> to vector<1000x1x128xf32>
    %stack3A_32 = vector.shape_cast %add3A_31 : vector<1000x128xf32> to vector<1000x1x128xf32>
    %stack3A_33 = tpu.concatenate %stack3A, %stack3A_32 in 1 : vector<1000x1x128xf32>, vector<1000x1x128xf32> -> vector<1000x2x128xf32>
    %reshape3A = vector.shape_cast %stack3A_33 : vector<1000x2x128xf32> to vector<2000x128xf32>
    %reduce_max3A = arith.constant dense<0xFF800000> : vector<2000xf32>
    %reduce_max3A_34 = vector.multi_reduction <maximumf>, %reshape3A, %reduce_max3A [1] : vector<2000x128xf32> to vector<2000xf32>
    %broadcast_in_dim3A = vector.shape_cast %reduce_max3A_34 : vector<2000xf32> to vector<2000x1xf32>
    %sub3A = vector.broadcast %broadcast_in_dim3A : vector<2000x1xf32> to vector<2000x128xf32>
    %sub3A_35 = arith.subf %reshape3A, %sub3A : vector<2000x128xf32>
    %exp3A = math.exp %sub3A_35 : vector<2000x128xf32>
    %reduce_sum3A = arith.constant dense<0.000000e+00> : vector<2000xf32>
    %reduce_sum3A_36 = vector.multi_reduction <add>, %exp3A, %reduce_sum3A [1] : vector<2000x128xf32> to vector<2000xf32>
    %broadcast_in_dim3A_37 = vector.shape_cast %reduce_sum3A_36 : vector<2000xf32> to vector<2000x1xf32>
    %log3A = math.log %broadcast_in_dim3A_37 : vector<2000x1xf32>
    %sub3A_38 = vector.broadcast %log3A : vector<2000x1xf32> to vector<2000x128xf32>
    %sub3A_39 = arith.subf %sub3A_35, %sub3A_38 : vector<2000x128xf32>
    %swap3A = arith.constant 0 : index
    %swap3A_40 = arith.constant 0 : index
    %swap3A_41 = vector.load %arg7[%swap3A, %swap3A_40] : memref<2000x128xf32, #tpu.memory_space<vmem>>, vector<2000x128xf32>
    tpu.vector_store %arg7[%swap3A, %swap3A_40], %sub3A_39 {strides = array<i32>} : memref<2000x128xf32, #tpu.memory_space<vmem>>, vector<2000x128xf32>,
    return
  }
  func.func @transform_0(%arg0: i32) -> (i32, i32) {
    %c0_i32 = arith.constant 0 : i32
    %c0_i32_0 = arith.constant 0 : i32
    return %arg0, %c0_i32 : i32, i32
  }
  func.func @transform_1(%arg0: i32) -> (i32, i32, i32) {
    %c0_i32 = arith.constant 0 : i32
    %c0_i32_0 = arith.constant 0 : i32
    %c0_i32_1 = arith.constant 0 : i32
    return %c0_i32, %arg0, %c0_i32_0 : i32, i32, i32
  }
  func.func @transform_2(%arg0: i32) -> (i32, i32, i32) {
    %c1_i32 = arith.constant 1 : i32
    %c0_i32 = arith.constant 0 : i32
    %c0_i32_0 = arith.constant 0 : i32
    return %c1_i32, %arg0, %c0_i32 : i32, i32, i32
  }
  func.func @transform_3(%arg0: i32) -> (i32, i32) {
    %c0_i32 = arith.constant 0 : i32
    %c0_i32_0 = arith.constant 0 : i32
    %c0_i32_1 = arith.constant 0 : i32
    return %c0_i32, %c0_i32_0 : i32, i32
  }
  func.func @transform_4(%arg0: i32) -> (i32, i32) {
    %c0_i32 = arith.constant 0 : i32
    %c0_i32_0 = arith.constant 0 : i32
    %c0_i32_1 = arith.constant 0 : i32
    return %c0_i32, %c0_i32_0 : i32, i32
  }
  func.func @transform_5(%arg0: i32) -> (i32, i32) {
    %c0_i32 = arith.constant 0 : i32
    %c0_i32_0 = arith.constant 0 : i32
    %c0_i32_1 = arith.constant 0 : i32
    return %c0_i32, %c0_i32_0 : i32, i32
  }
  func.func @transform_6(%arg0: i32) -> (i32, i32) {
    %c0_i32 = arith.constant 0 : i32
    %c0_i32_0 = arith.constant 0 : i32
    return %arg0, %c0_i32 : i32, i32
  }
}

</mosaic_0001>

<sc_bundles>
// kernel: kernel.10.cloned.1.call-start
scs
__scs_entry_jumppad:
0x0: {  	(pc) =	sbr.rel $0x88, $3  }
0x1: {  	(tag) =	ssettag $0x0;
	lr =	simm.s32 $0x1  }
0x2: {  	[smem:$0x3F9B] =	sst lr;
	_ =	strace $0xD0000000  }
0x3: {  	_ = 	snop  }
0x4: {  	_ = 	snop  }
0x5: {  	_ = 	snop  }
0x6: {  	_ = 	snop  }
0x7: {  	_ = 	snop  }
__scs_overlays_trampoline_lowered:
0x8: {  	[smem:$0x3FAA] =	sst s0  }
0x9: {  	[smem:$0x3FAB] =	sst s1  }
0xa: {  	[smem:$0x3FAC] =	sst s2  }
0xb: {  	[smem:$0x3FAD] =	sst s3  }
0xc: {  	[smem:$0x3FAE] =	sst s4  }
0xd: {  	[smem:$0x3FAF] =	sst s5  }
0xe: {  	[smem:$0x3FB0] =	sst s6  }
0xf: {  	[smem:$0x3FB1] =	sst s7  }
0x10: {  	[smem:$0x3FB2] =	sst s8  }
0x11: {  	[smem:$0x3FB3] =	sst s9;
	s0 =	simm.s32 @!p0 $0x0  }
0x12: {  	s1 =	sld [smem:$0x3F99];
	s0 =	simm.s32 @p0 $0x1  }
0x13: {  	[smem:$0x3FB4] =	sst s0;
	s0 =	simm.s32 @!p1 $0x0  }
0x14: {  	s2 =	sld [smem:$0x3F98];
	s0 =	simm.s32 @p1 $0x1  }
0x15: {  	[smem:$0x3FB5] =	sst s0;
	s0 =	simm.s32 @!p2 $0x0  }
0x16: {  	s3 =	sld [smem:$0x3FDB];
	s0 =	simm.s32 @p2 $0x1  }
0x17: {  	s4 =	simm.s32 $0x1BF5;
	[smem:$0x3FB7] =	sst s0  }
0x18: {  	s0 =	sld [smem:$0x3F9A];
	_ =	swait.ge [sflag:s4], $0x0  }
0x19: {  	s7 =	sld [smem:$0x3F9B]  }
0x1a: {  	s8 =	sadd.s32 $0xFFFFE003, lr  }
0x1b: {  	s9 =	sadd.s32 $0xFFFFFEF7, lr;
	s5 =	simm.s32 $0xFFFFFFFF;
	p2 =	slt.u32 s8, $0xFFFFF086  }
0x1c: {  	p1 =	slt.u32 s9, $0xF7A;
	s5 =	simm.s32 @!p2 $0x0  }
0x1d: {  	s5 =	simm.s32 @p1 $0x1;
	p0 =	seq.s32 s7, s2  }
0x1e: {  	s7 =	smul.u32 @!p0 $0xF7A, s2;
	p2 =	seq.s32 @!p0 s5, $0x0  }
0x1f: {  	s9 =	smul.u32 $0xF7A, s1;
	s8 =	simm.s32 @!p0 $0x1BF5;
	p2 =	por !p2, p0  }
0x20: {  	[sflag:s8] =	ssyncset.s32 @!p0 $0xFFFFF086;
	s6 =	sadd.s32 @!p0 s3, s7;
	s7 =	simm.s32 @!p0 $0x108  }
0x21: {  	s3 =	sadd.s32 s3, s9;
	s6 =	sadd.s32 @!p0 $0x88, s6;
	s7 =	simm.s32 @p2 $0x1082  }
0x22: {  	[simem:s7], [sflag:s8] =	dma.local @!p0 [hbm:s6], $0xF7A  }
0x23: {  	s9 =	sor.u32 $0xD0000000, s2;
	s6 =	simm.s32 $0x108;
	_ =	swait.ge @!p0 [sflag:s8], $0x0  }
0x24: {  	s3 =	sadd.s32 $0x88, s3;
	s6 =	simm.s32 @!p1 $0x1082;
	[sflag:s4] =	ssyncset.s32 $0xFFFFF086  }
0x25: {  	[simem:s6], [sflag:s4] =	dma.local [hbm:s3], $0xF7A  }
0x26: {  	[smem:$0x3F9B] =	sst s1;
	(tag) =	ssettag s2;
	_ =	strace s9  }
0x27: {  	s1 =	sld [smem:$0x3FAB]  }
0x28: {  	s2 =	sld [smem:$0x3FAC]  }
0x29: {  	s4 =	sld [smem:$0x3FAE]  }
0x2a: {  	p0 =	seq.s32 s5, $0x0;
	s5 =	sld [smem:$0x3FAF]  }
0x2b: {  	s6 =	sld [smem:$0x3FB0]  }
0x2c: {  	s7 =	sld [smem:$0x3FB1]  }
0x2d: {  	s3 =	simm.s32 $0x108;
	s8 =	sld [smem:$0x3FB2]  }
0x2e: {  	s3 =	simm.s32 @!p0 $0x1082;
	s9 =	sld [smem:$0x3FB3]  }
0x2f: {  	lr =	sadd.s32 s0, s3;
	s0 =	sld [smem:$0x3FAA]  }
0x30: {  	s3 =	sld [smem:$0x3FAD]  }
0x31: {  	[smem:$0x3FB6] =	sst s10  }
0x32: {  	s10 =	sld [smem:$0x3FB4];
	_ =	sdelay $0x3  }
0x33: {  	p0 =	seq.s32 s10, $0x1;
	s10 =	sld [smem:$0x3FB6];
	_ =	sdelay $0x3  }
0x34: {  	[smem:$0x3FB6] =	sst s10  }
0x35: {  	s10 =	sld [smem:$0x3FB5];
	_ =	sdelay $0x3  }
0x36: {  	p1 =	seq.s32 s10, $0x1;
	s10 =	sld [smem:$0x3FB6];
	_ =	sdelay $0x3  }
0x37: {  	[smem:$0x3FB6] =	sst s10  }
0x38: {  	s10 =	sld [smem:$0x3FB7]  }
0x39: {  	_ = 	snop;
	(pc) =	sbr.ind lr, $3  }
0x3a: {  	_ = 	snop  }
0x3b: {  	_ = 	snop  }
0x3c: {  	p2 =	seq.s32 s10, $0x1;
	s10 =	sld [smem:$0x3FB6]  }
0x3d: {  	_ =	shalt  }
0x3e: {  	_ =	shalt  }
0x3f: {  	_ =	shalt  }
0x40: {  	_ =	shalt  }
0x41: {  	_ =	shalt  }
0x42: {  	_ =	shalt  }
0x43: {  	_ =	shalt  }
0x44: {  	_ =	shalt  }
0x45: {  	_ =	shalt  }
0x46: {  	_ =	shalt  }
0x47: {  	_ =	shalt  }
0x48: {  	_ =	shalt  }
0x49: {  	_ =	shalt  }
0x4a: {  	_ =	shalt  }
0x4b: {  	_ =	shalt  }
0x4c: {  	_ =	shalt  }
0x4d: {  	_ =	shalt  }
0x4e: {  	_ =	shalt  }
0x4f: {  	_ =	shalt  }
0x50: {  	_ =	shalt  }
0x51: {  	_ =	shalt  }
0x52: {  	_ =	shalt  }
0x53: {  	_ =	shalt  }
0x54: {  	_ =	shalt  }
0x55: {  	_ =	shalt  }
0x56: {  	_ =	shalt  }
0x57: {  	_ =	shalt  }
0x58: {  	_ =	shalt  }
0x59: {  	_ =	shalt  }
0x5a: {  	_ =	shalt  }
0x5b: {  	_ =	shalt  }
0x5c: {  	_ =	shalt  }
0x5d: {  	_ =	shalt  }
0x5e: {  	_ =	shalt  }
0x5f: {  	_ =	shalt  }
0x60: {  	_ =	shalt  }
0x61: {  	_ =	shalt  }
0x62: {  	_ =	shalt  }
0x63: {  	_ =	shalt  }
0x64: {  	_ =	shalt  }
0x65: {  	_ =	shalt  }
0x66: {  	_ =	shalt  }
0x67: {  	_ =	shalt  }
0x68: {  	_ =	shalt  }
0x69: {  	_ =	shalt  }
0x6a: {  	_ =	shalt  }
0x6b: {  	_ =	shalt  }
0x6c: {  	_ =	shalt  }
0x6d: {  	_ =	shalt  }
0x6e: {  	_ =	shalt  }
0x6f: {  	_ =	shalt  }
0x70: {  	_ =	shalt  }
0x71: {  	_ =	shalt  }
0x72: {  	_ =	shalt  }
0x73: {  	_ =	shalt  }
0x74: {  	_ =	shalt  }
0x75: {  	_ =	shalt  }
0x76: {  	_ =	shalt  }
0x77: {  	_ =	shalt  }
0x78: {  	_ =	shalt  }
0x79: {  	_ =	shalt  }
0x7a: {  	_ =	shalt  }
0x7b: {  	_ =	shalt  }
0x7c: {  	_ =	shalt  }
0x7d: {  	_ =	shalt  }
0x7e: {  	_ =	shalt  }
0x7f: {  	_ =	shalt  }
0x80: {  	_ =	shalt  }
0x81: {  	_ =	shalt  }
0x82: {  	_ =	shalt  }
0x83: {  	_ =	shalt  }
0x84: {  	_ =	shalt  }
0x85: {  	_ =	shalt  }
0x86: {  	_ =	shalt  }
0x87: {  	_ =	shalt  }
.Lfunc_end0:
.L_simem_size_0:
called_computation.1_lowered:
.L_overlay_start_0:
0x88: {  	s2 =	sld [smem:$0x3FD9]  }
0x89: {  	s3 =	sld [smem:$0x3FFE];
	_ =	sdelay $0x1  }
0x8a: {  	s1 =	srdreg.scid  }
0x8b: {  	s0 =	sand.u32 $0x1, s1  }
0x8c: {  	s17 =	sshll.u32 s0, $0xA;
	s2 =	sadd.s32 s3, s2  }
0x8d: {  	s2 =	sadd.s32 s2, s17  }
0x8e: {  	[smem:$0x3FC2] =	sst s2  }
0x8f: {  	_ = 	snop  }
0x90: {  	s2 =	sld [smem:$0x3FD0];
	(tm) =	ssettm $0x1  }
0x91: {  	s18 =	sld [smem:$0x3FFB];
	_ =	sdelay $0x3  }
0x92: {  	_ =	strace s18  }
0x93: {  	s3 =	sld [smem:$0x3FFC];
	_ =	sdelay $0x3  }
0x94: {  	_ =	strace s3  }
0x95: {  	s3 =	sld [smem:$0x3FFD];
	_ =	sdelay $0x3  }
0x96: {  	_ =	strace s3  }
0x97: {  	_ =	strace $0x8FFFFFFF  }
0x98: {  	s19 =	sld [smem:$0x3FDB];
	_ =	sdelay $0x1  }
0x99: {  	s4 =	simm.s32 $_scs_section_size  }
0x9a: {  	s5 =	simm.s32 $_size__tile_overlayer_lowered;
	s6 =	simm.s32 $_tile_overlayer_lowered  }
0x9b: {  	s22 =	simm.s32 $0x1BFF;
	s21 =	sshll.u32 s6, $0x1;
	s3 =	sadd.s32 s4, s19  }
0x9c: {  	s7 =	simm.s32 $0x0;
	s20 =	sshll.u32 s5, $0x1;
	s5 =	sadd.s32 s21, s3  }
0x9d: {  	[timem:s7], [sflag:s22] =	dma.local [hbm:s5], s20  }
0x9e: {  	_ =	swait.ge [sflag:s22], s20  }
0x9f: {  	s4 =	ssub.s32 $0x0, s20;
	[sflag:s22] =	ssyncset.done $0x0  }
0xa0: {  	[sflag:s22] =	ssyncadd.s32 s4;
	_ =	sdelay $0x1  }
0xa1: {  	s23 =	simm.s32 $0x1B8B  }
0xa2: {  	_ =	swait.ge [sflag:s23], $0x1  }
0xa3: {  	[sflag:s23] =	ssyncset.done $0x0  }
0xa4: {  	s25 =	simm.s32 $0x1B8E;
	s24 =	sld [smem:$0x3FFE];
	[sflag:s23] =	ssyncadd.s32 $0xFFFFFFFF  }
0xa5: {  	s26 =	simm.s32 $execute0_lowered;
	[smem:$0x3FD2] =	sst s25  }
0xa6: {  	s5 =	sshll.u32 s26, $0x1;
	_ =	strace $0x80000049;
	[dreg:$0x1] =	wrdreg $0xFFFFFFFF  }
0xa7: {  	s28 =	simm.s32 $_size_execute0_lowered;
	s3 =	sadd.s32 s3, s5;
	[dreg:$0x0] =	wrdreg $0x0  }
0xa8: {  	s5 =	sshll.u32 s28, $0x1;
	[dreg:$0x2] =	wrdreg s3  }
0xa9: {  	[dreg:$0x3] =	wrdreg s5  }
0xaa: {  	[dreg:$0x4] =	wrdreg $0xC0  }
0xab: {  	_ =	task [dreg:s7], $0x5FFFF  }
0xac: {  	[dreg:$0x1] =	wrdreg $0xFFFFFFFF  }
0xad: {  	[dreg:$0x0] =	wrdreg $0x60  }
0xae: {  	[dreg:$0x2] =	wrdreg s24  }
0xaf: {  	[dreg:$0x3] =	wrdreg s2  }
0xb0: {  	[dreg:$0x4] =	wrdreg $0x161C00  }
0xb1: {  	[dreg:$0x5] =	wrdreg $0xC1C00  }
0xb2: {  	[dreg:$0x6] =	wrdreg $0x9  }
0xb3: {  	_ =	task.clear_ibuf [dreg:s7], $0x7FFFF;
	_ =	strace $0x90000049  }
0xb4: {  	s29 =	simm.s32 $0x9;
	_ =	strace $0x8000004B  }
0xb5: {  	_ =	swait.ge [sflag:s29], $0x1  }
0xb6: {  	[sflag:s29] =	ssyncadd.s32 $0xFFFFFFFF  }
0xb7: {  	_ =	strace $0x9000004B  }
0xb8: {  	_ =	sfence  }
0xb9: {  	s30 =	sld [smem:$0x0];
	_ =	sdelay $0x2  }
0xba: {  	s31 =	sshll.u32 s1, $0xD;
	s1 =	sshrl.u32 s1, $0x2  }
0xbb: {  	s3 =	sand.u32 $0x4000, s31;
	s1 =	sadd.s32 s1, s30  }
0xbc: {  	s0 =	sor.u32 s3, s0;
	s1 =	sshll.u32 s1, $0x11  }
0xbd: {  	s0 =	sor.u32 s1, s0  }
0xbe: {  	s0 =	sadd.s32 $0x8F2B, s0  }
0xbf: {  	[sflag:s0] =	ssyncadd.remote.s32 $0x1  }
0xc0: {  	_ =	sfence.sel $0xFFFF  }
0xc1: {  	[dreg:$0x0] =	wrdreg $0xFFFFFFFF;
	(pc) =	sbr.abs _section_cstart, $3  }
0xc2: {  	[dreg:$0x1] =	wrdreg $0xFFFFFFFF  }
0xc3: {  	_ =	task.clear_ibuf [dreg:s7], $0x2FFFF;
	_ =	strace $0x9FFFFFFF  }
0xc4: {  	(tm) =	ssettm $0x7FFFFFFF  }
0xc5: {  	_ =	shalt  }
tec
execute0_lowered:
.L_overlay_start_1:
0x0: {  	(tag) =	ssettag $0x1  }
0x1: {  	s0 =	rddreg [dreg:$0x0]  }
0x2: {  	s1 =	rddreg [dreg:$0x1]  }
0x3: {  	s2 =	rddreg [dreg:$0x2]  }
0x4: {  	s3 =	rddreg [dreg:$0x3]  }
0x5: {  	s11 =	stileid.u32;
	s4 =	srdreg.scid;
	s6 =	simm.s32 $0x0  }
0x6: {  	s28 =	simm.s32 $0x1;
	s29 =	simm.s32 $0x2;
	s30 =	simm.s32 $0x7D  }
0x7: {  	s31 =	simm.s32 $0x5000;
	s5 =	smul.u32 $0xA000, s11;
	s4 =	sand.u32 $0x1, s4  }
0x8: {  	[smem:$0x7FF] =	sst s6;
	s22 =	smul.u32 $0x28000, s11;
	s19 =	sadd.s32 $0x96000, s2  }
0x9: {  	p0 =	seq.s32 s11, $0xF;
	s21 =	smul.u32 $0xA0000, s4;
	_ =	strace $0x8000004A  }
0xa: {  	s8 =	sshll.u32 s4, $0x4;
	s4 =	ssub.s32 $0x2, s4;
	s19 =	sshrl.u32 @p0 s19, $0x3  }
0xb: {  	s7 =	sshrl.u32 s5, $0x3;
	s8 =	sor.u32 s11, s8;
	s9 =	sshrl.u32 s4, $0x1  }
0xc: {  	s10 =	sadd.s32 s5, s2;
	s24 =	sshrl.u32 s22, $0x2;
	s22 =	simm.s32 $0x2800  }
0xd: {  	s7 =	sadd.s32 s7, s0;
	s6 =	sadd.s32 s5, s21;
	s8 =	smul.u32 $0x2800, s8  }
0xe: {  	s4 =	ssub.s32 s4, s9;
	s9 =	sadd.s32 s5, s3;
	s21 =	sshrl.u32 @!p0 s10, $0x3  }
0xf: {  	s5 =	simm.s32 $0x8;
	s6 =	sshrl.u32 s6, $0x3;
	s7 =	sadd.s32 $0x1C00, s7  }
0x10: {  	s18 =	smax.u32 s4, $0x1;
	s4 =	simm.s32 $0x3;
	s6 =	sadd.s32 s6, s0  }
0x11: {  	[dreg:$0x5] =	wrdreg s7;
	s23 =	sshrl.u32 s8, $0x3;
	s0 =	sadd.s32 $0x14800, s0  }
0x12: {  	[dreg:$0x6] =	wrdreg s0;
	s7 =	sadd.s32 s1, s23;
	s0 =	sadd.s32 s24, s3  }
0x13: {  	s17 =	sadd.s32 $0x15600, s6;
	s23 =	simm.s32 $0xADC0;
	s24 =	simm.s32 $0x4  }
0x14: {  	s6 =	simm.s32 $0x0;
	s1 =	sadd.s32 $0xA000, s7;
	s25 =	sadd.s32 $0x1400, s0  }
0x15: {  	s26 =	sadd.s32 $0x2800, s0;
	s12 =	sadd.s32 $0x3C00, s0;
	s13 =	sadd.s32 $0x5000, s0  }
0x16: {  	s14 =	sadd.s32 $0x6400, s0;
	s15 =	sadd.s32 $0x7800, s0;
	[dreg:$0x7] =	wrdreg s1  }
0x17: {  	s16 =	sadd.s32 $0x8C00, s0;
	s0 =	sshll.u32 @!p0 s11, $0x6;
	[dreg:$0x8] =	wrdreg s25  }
0x18: {  	[dreg:$0x9] =	wrdreg s26;
	s20 =	sor.u32 @!p0 $0x1C07, s0;
	s25 =	simm.s32 $0x5  }
0x19: {  	v0 =	vimm.f32 $0.0e+00;
	s26 =	simm.s32 $0x6;
	s1 =	simm.s32 $0x6F40;
	s0 =	simm.s32 $0x8E80  }
.LBB2_1:
0x1a: {  	s8 =	simm.s32 @p0 $0x1FC7;
	s10 =	rddreg [dreg:$0x6]  }
0x1b: {  	[spmem:s19], [sflag:s8] =	dma.local @p0 [hbm:s10], $0xC80  }
0x1c: {  	s10 =	simm.s32 $0x0;
	s8 =	rddreg [dreg:$0x5]  }
0x1d: {  	[spmem:s21], [sflag:s20] =	dma.local @!p0 [hbm:s8], $0x1400  }
0x1e: {  	[tilespmem:s10], [sflag:$0x1] =	stream.linear.gather [hbm4b:s7+s10], $0x2800, $0x38;
	[tilespmem:$0x1FE00] =	vst v63  }
0x1f: {  	s11 =	rddreg [dreg:$0x7]  }
0x20: {  	[tilespmem:s22], [sflag:$0x2] =	stream.linear.gather [hbm4b:s11+s10], $0x2800, $0x38;
	[tilespmem:$0x1FE00] =	vst v63  }
0x21: {  	s8 =	simm.s32 $0x0;
	s10 =	simm.s32 $0x100  }
.LBB2_2:
0x22: {  	p1 =	sne.s32 s10, $0x4F00;
	[tilespmem:s8+$0xADF0] =	vst v0;
	s11 =	smov.u32 s10;
	s10 =	sadd.s32 $0x100, s10  }
.Ltmp0:
0x23: {  	[tilespmem:s8+$0xADE0] =	vst v0;
	(pc) =	sbr.rel @p1 .LBB2_2-.Ltmp0, $3  }
0x24: {  	[tilespmem:s8+$0xADC0] =	vst v0  }
0x25: {  	[tilespmem:s8+$0xADD0] =	vst v0;
	_ =	sdelay $0x1  }
0x26: {  	s8 =	sshra.s32 s11, $0x2  }
0x27: {  	[tilespmem:s8+$0xADF0] =	vst v0  }
0x28: {  	[tilespmem:s8+$0xADE0] =	vst v0  }
0x29: {  	[tilespmem:s8+$0xADC0] =	vst v0  }
0x2a: {  	[tilespmem:s8+$0xADD0] =	vst v0  }
0x2b: {  	[spmem:s9] =	stream.linear.scatter [tilespmem:s23], [sflag:$0x4], $0x1400, $0x38;
	[tilespmem:$0x1FE00] =	vst v63  }
0x2c: {  	s10 =	rddreg [dreg:$0x8]  }
0x2d: {  	[spmem:s10] =	stream.linear.scatter [tilespmem:s23], [sflag:$0x5], $0x1400, $0x38;
	[tilespmem:$0x1FE00] =	vst v63  }
0x2e: {  	s11 =	rddreg [dreg:$0x9]  }
0x2f: {  	[spmem:s11] =	stream.linear.scatter [tilespmem:s23], [sflag:$0x6], $0x1400, $0x38;
	[tilespmem:$0x1FE00] =	vst v63  }
0x30: {  	_ = 	snop  }
0x31: {  	[spmem:s12] =	stream.linear.scatter [tilespmem:s23], [sflag:$0x4], $0x1400, $0x38;
	[tilespmem:$0x1FE00] =	vst v63  }
0x32: {  	_ = 	snop  }
0x33: {  	[spmem:s13] =	stream.linear.scatter [tilespmem:s23], [sflag:$0x5], $0x1400, $0x38;
	[tilespmem:$0x1FE00] =	vst v63  }
0x34: {  	_ = 	snop  }
0x35: {  	[spmem:s14] =	stream.linear.scatter [tilespmem:s23], [sflag:$0x6], $0x1400, $0x38;
	[tilespmem:$0x1FE00] =	vst v63  }
0x36: {  	_ = 	snop  }
0x37: {  	[spmem:s15] =	stream.linear.scatter [tilespmem:s23], [sflag:$0x4], $0x1400, $0x38;
	[tilespmem:$0x1FE00] =	vst v63  }
0x38: {  	_ = 	snop  }
0x39: {  	[spmem:s16] =	stream.linear.scatter [tilespmem:s23], [sflag:$0x5], $0x1400, $0x38;
	[tilespmem:$0x1FE00] =	vst v63  }
0x3a: {  	_ =	swait.ge [sflag:s24], $0x1400  }
0x3b: {  	[sflag:s24] =	ssyncset.done $0x0  }
0x3c: {  	[sflag:s24] =	ssyncadd.s32 $0xFFFFEC00  }
0x3d: {  	_ =	swait.ge [sflag:s25], $0x1400  }
0x3e: {  	[sflag:s25] =	ssyncset.done $0x0  }
0x3f: {  	[sflag:s25] =	ssyncadd.s32 $0xFFFFEC00  }
0x40: {  	_ =	swait.ge [sflag:s26], $0x1400  }
0x41: {  	[sflag:s26] =	ssyncset.done $0x0  }
0x42: {  	[sflag:s26] =	ssyncadd.s32 $0xFFFFEC00  }
0x43: {  	_ =	swait.ge [sflag:s24], $0x1400  }
0x44: {  	[sflag:s24] =	ssyncset.done $0x0  }
0x45: {  	[sflag:s24] =	ssyncadd.s32 $0xFFFFEC00  }
0x46: {  	_ =	swait.ge [sflag:s25], $0x1400  }
0x47: {  	[sflag:s25] =	ssyncset.done $0x0  }
0x48: {  	[sflag:s25] =	ssyncadd.s32 $0xFFFFEC00  }
0x49: {  	_ =	swait.ge [sflag:s26], $0x1400  }
0x4a: {  	[sflag:s26] =	ssyncset.done $0x0  }
0x4b: {  	[sflag:s26] =	ssyncadd.s32 $0xFFFFEC00  }
0x4c: {  	_ =	swait.ge [sflag:s24], $0x1400  }
0x4d: {  	[sflag:s24] =	ssyncset.done $0x0  }
0x4e: {  	[sflag:s24] =	ssyncadd.s32 $0xFFFFEC00  }
0x4f: {  	_ =	swait.ge [sflag:s25], $0x1400  }
0x50: {  	[sflag:s25] =	ssyncset.done $0x0  }
0x51: {  	[sflag:s25] =	ssyncadd.s32 $0xFFFFEC00  }
0x52: {  	_ =	swait.ge [sflag:s28], $0x2800  }
0x53: {  	[sflag:s28] =	ssyncset.done $0x0  }
0x54: {  	[sflag:s28] =	ssyncadd.s32 $0xFFFFD800  }
0x55: {  	_ =	swait.ge [sflag:s29], $0x2800  }
0x56: {  	[sflag:s29] =	ssyncset.done $0x0  }
0x57: {  	s8 =	simm.s32 @p0 $0x7;
	[sflag:s29] =	ssyncadd.s32 $0xFFFFD800  }
0x58: {  	_ =	swait.ge @p0 [sflag:s8], $0xC80  }
0x59: {  	[sflag:s8] =	ssyncset.done @p0 $0x0  }
0x5a: {  	[sflag:s8] =	ssyncadd.s32 @p0 $0xFFFFF380;
	s8 =	simm.s32 @!p0 $0x7  }
0x5b: {  	_ =	swait.ge @!p0 [sflag:s8], $0x1400  }
0x5c: {  	[sflag:s8] =	ssyncset.done @!p0 $0x0  }
0x5d: {  	[sflag:s8] =	ssyncadd.s32 @!p0 $0xFFFFEC00  }
0x5e: {  	s10 =	simm.s32 $0x0;
	[bflag:$0x0] =	sbarrier.arrive $0xFFFF  }
0x5f: {  	[tilespmem:s31], [sflag:$0x1] =	stream.indirect.gather [spmem:s2], $0x40, s10, s30, $0xb8;
	[tilespmem:$0x1FE00] =	vst v63  }
0x60: {  	s11 =	simm.s32 $0x80  }
0x61: {  	[tilespmem:s1], [sflag:$0x2] =	stream.indirect.gather [spmem:s2], $0x40, s11, s30, $0xb8;
	[tilespmem:$0x1FE00] =	vst v63  }
0x62: {  	s10 =	simm.s32 $0x100  }
0x63: {  	[tilespmem:s0], [sflag:$0x3] =	stream.indirect.gather [spmem:s2], $0x40, s10, s30, $0xb8;
	[tilespmem:$0x1FE00] =	vst v63  }
0x64: {  	_ =	swait.ge [sflag:s28], $0x1F40  }
0x65: {  	[sflag:s28] =	ssyncset.done $0x0  }
0x66: {  	[sflag:s28] =	ssyncadd.s32 $0xFFFFE0C0  }
0x67: {  	[spmem:s3] =	stream.indirect.scatter.add.f32 [tilespmem:s31], [sflag:$0x4], $0x40, s22, s30, $0xb8;
	[tilespmem:$0x1FE00] =	vst v63  }
0x68: {  	_ =	swait.ge [sflag:s24], $0x1F40  }
0x69: {  	[sflag:s24] =	ssyncset.done $0x0  }
0x6a: {  	s11 =	simm.s32 $0x180;
	[sflag:s24] =	ssyncadd.s32 $0xFFFFE0C0  }
0x6b: {  	[tilespmem:s31], [sflag:$0x1] =	stream.indirect.gather [spmem:s2], $0x40, s11, s30, $0xb8;
	[tilespmem:$0x1FE00] =	vst v63  }
0x6c: {  	_ =	swait.ge [sflag:s29], $0x1F40  }
0x6d: {  	[sflag:s29] =	ssyncset.done $0x0  }
0x6e: {  	s10 =	simm.s32 $0x2880;
	[sflag:s29] =	ssyncadd.s32 $0xFFFFE0C0  }
0x6f: {  	[spmem:s3] =	stream.indirect.scatter.add.f32 [tilespmem:s1], [sflag:$0x5], $0x40, s10, s30, $0xb8;
	[tilespmem:$0x1FE00] =	vst v63  }
0x70: {  	_ =	swait.ge [sflag:s25], $0x1F40  }
0x71: {  	[sflag:s25] =	ssyncset.done $0x0  }
0x72: {  	s11 =	simm.s32 $0x200;
	[sflag:s25] =	ssyncadd.s32 $0xFFFFE0C0  }
0x73: {  	[tilespmem:s1], [sflag:$0x2] =	stream.indirect.gather [spmem:s2], $0x40, s11, s30, $0xb8;
	[tilespmem:$0x1FE00] =	vst v63  }
0x74: {  	_ =	swait.ge [sflag:s4], $0x1F40  }
0x75: {  	[sflag:s4] =	ssyncset.done $0x0  }
0x76: {  	s10 =	simm.s32 $0x2900;
	[sflag:s4] =	ssyncadd.s32 $0xFFFFE0C0  }
0x77: {  	[spmem:s3] =	stream.indirect.scatter.add.f32 [tilespmem:s0], [sflag:$0x6], $0x40, s10, s30, $0xb8;
	[tilespmem:$0x1FE00] =	vst v63  }
0x78: {  	_ =	swait.ge [sflag:s26], $0x1F40  }
0x79: {  	[sflag:s26] =	ssyncset.done $0x0  }
0x7a: {  	s11 =	simm.s32 $0x280;
	[sflag:s26] =	ssyncadd.s32 $0xFFFFE0C0  }
0x7b: {  	[tilespmem:s0], [sflag:$0x3] =	stream.indirect.gather [spmem:s2], $0x40, s11, s30, $0xb8;
	[tilespmem:$0x1FE00] =	vst v63  }
0x7c: {  	_ =	swait.ge [sflag:s28], $0x1F40  }
0x7d: {  	[sflag:s28] =	ssyncset.done $0x0  }
0x7e: {  	s10 =	simm.s32 $0x2980;
	[sflag:s28] =	ssyncadd.s32 $0xFFFFE0C0  }
0x7f: {  	[spmem:s3] =	stream.indirect.scatter.add.f32 [tilespmem:s31], [sflag:$0x4], $0x40, s10, s30, $0xb8;
	[tilespmem:$0x1FE00] =	vst v63  }
0x80: {  	_ =	swait.ge [sflag:s24], $0x1F40  }
0x81: {  	[sflag:s24] =	ssyncset.done $0x0  }
0x82: {  	s11 =	simm.s32 $0x300;
	[sflag:s24] =	ssyncadd.s32 $0xFFFFE0C0  }
0x83: {  	[tilespmem:s31], [sflag:$0x1] =	stream.indirect.gather [spmem:s2], $0x40, s11, s30, $0xb8;
	[tilespmem:$0x1FE00] =	vst v63  }
0x84: {  	_ =	swait.ge [sflag:s29], $0x1F40  }
0x85: {  	[sflag:s29] =	ssyncset.done $0x0  }
0x86: {  	s10 =	simm.s32 $0x2A00;
	[sflag:s29] =	ssyncadd.s32 $0xFFFFE0C0  }
0x87: {  	[spmem:s3] =	stream.indirect.scatter.add.f32 [tilespmem:s1], [sflag:$0x5], $0x40, s10, s30, $0xb8;
	[tilespmem:$0x1FE00] =	vst v63  }
0x88: {  	_ =	swait.ge [sflag:s25], $0x1F40  }
0x89: {  	[sflag:s25] =	ssyncset.done $0x0  }
0x8a: {  	s11 =	simm.s32 $0x380;
	[sflag:s25] =	ssyncadd.s32 $0xFFFFE0C0  }
0x8b: {  	[tilespmem:s1], [sflag:$0x2] =	stream.indirect.gather [spmem:s2], $0x40, s11, s30, $0xb8;
	[tilespmem:$0x1FE00] =	vst v63  }
0x8c: {  	_ =	swait.ge [sflag:s4], $0x1F40  }
0x8d: {  	[sflag:s4] =	ssyncset.done $0x0  }
0x8e: {  	s8 =	simm.s32 $0x600;
	s10 =	simm.s32 $0x2A80;
	[sflag:s4] =	ssyncadd.s32 $0xFFFFE0C0  }
.LBB2_4:
0x8f: {  	[spmem:s3] =	stream.indirect.scatter.add.f32 [tilespmem:s0], [sflag:$0x6], $0x40, s10, s30, $0xb8;
	[tilespmem:$0x1FE00] =	vst v63  }
0x90: {  	s10 =	smov.u32 s8  }
0x91: {  	p1 =	sne.s32 s8, $0x9000;
	s8 =	sadd.s32 $0x600, s8;
	_ =	swait.ge [sflag:s26], $0x1F40  }
0x92: {  	s10 =	sshra.s32 s10, $0x2;
	[sflag:s26] =	ssyncset.done $0x0  }
0x93: {  	s11 =	sadd.s32 $0x280, s10;
	[sflag:s26] =	ssyncadd.s32 $0xFFFFE0C0  }
0x94: {  	[tilespmem:s0], [sflag:$0x3] =	stream.indirect.gather [spmem:s2], $0x40, s11, s30, $0xb8;
	[tilespmem:$0x1FE00] =	vst v63  }
0x95: {  	_ =	swait.ge [sflag:s28], $0x1F40  }
0x96: {  	[sflag:s28] =	ssyncset.done $0x0  }
0x97: {  	s11 =	sadd.s32 $0x2980, s10;
	[sflag:s28] =	ssyncadd.s32 $0xFFFFE0C0  }
0x98: {  	[spmem:s3] =	stream.indirect.scatter.add.f32 [tilespmem:s31], [sflag:$0x4], $0x40, s11, s30, $0xb8;
	[tilespmem:$0x1FE00] =	vst v63  }
0x99: {  	_ =	swait.ge [sflag:s24], $0x1F40  }
0x9a: {  	[sflag:s24] =	ssyncset.done $0x0  }
0x9b: {  	s11 =	sadd.s32 $0x300, s10;
	[sflag:s24] =	ssyncadd.s32 $0xFFFFE0C0  }
0x9c: {  	[tilespmem:s31], [sflag:$0x1] =	stream.indirect.gather [spmem:s2], $0x40, s11, s30, $0xb8;
	[tilespmem:$0x1FE00] =	vst v63  }
0x9d: {  	_ =	swait.ge [sflag:s29], $0x1F40  }
0x9e: {  	[sflag:s29] =	ssyncset.done $0x0  }
0x9f: {  	s11 =	sadd.s32 $0x2A00, s10;
	[sflag:s29] =	ssyncadd.s32 $0xFFFFE0C0  }
0xa0: {  	[spmem:s3] =	stream.indirect.scatter.add.f32 [tilespmem:s1], [sflag:$0x5], $0x40, s11, s30, $0xb8;
	[tilespmem:$0x1FE00] =	vst v63  }
0xa1: {  	_ =	swait.ge [sflag:s25], $0x1F40  }
0xa2: {  	[sflag:s25] =	ssyncset.done $0x0  }
.Ltmp1:
0xa3: {  	s11 =	sadd.s32 $0x380, s10;
	[sflag:s25] =	ssyncadd.s32 $0xFFFFE0C0;
	(pc) =	sbr.rel @p1 .LBB2_4-.Ltmp1, $4  }
0xa4: {  	[tilespmem:s1], [sflag:$0x2] =	stream.indirect.gather [spmem:s2], $0x40, s11, s30, $0xb8;
	[tilespmem:$0x1FE00] =	vst v63  }
0xa5: {  	_ =	swait.ge [sflag:s4], $0x1F40  }
0xa6: {  	[sflag:s4] =	ssyncset.done $0x0  }
0xa7: {  	s10 =	sadd.s32 $0x2A80, s10;
	[sflag:s4] =	ssyncadd.s32 $0xFFFFE0C0  }
0xa8: {  	[spmem:s3] =	stream.indirect.scatter.add.f32 [tilespmem:s0], [sflag:$0x6], $0x40, s10, s30, $0xb8;
	[tilespmem:$0x1FE00] =	vst v63  }
0xa9: {  	_ =	swait.ge [sflag:s28], $0x1F40  }
0xaa: {  	[sflag:s28] =	ssyncset.done $0x0  }
0xab: {  	s8 =	simm.s32 $0x4F00;
	[sflag:s28] =	ssyncadd.s32 $0xFFFFE0C0  }
0xac: {  	[spmem:s3] =	stream.indirect.scatter.add.f32 [tilespmem:s31], [sflag:$0x4], $0x40, s8, s30, $0xb8;
	[tilespmem:$0x1FE00] =	vst v63  }
0xad: {  	_ =	swait.ge [sflag:s29], $0x1F40  }
0xae: {  	[sflag:s29] =	ssyncset.done $0x0  }
0xaf: {  	s11 =	simm.s32 $0x4F80;
	[sflag:s29] =	ssyncadd.s32 $0xFFFFE0C0  }
0xb0: {  	[spmem:s3] =	stream.indirect.scatter.add.f32 [tilespmem:s1], [sflag:$0x5], $0x40, s11, s30, $0xb8;
	[tilespmem:$0x1FE00] =	vst v63  }
0xb1: {  	_ =	swait.ge [sflag:s26], $0x1F40  }
0xb2: {  	[sflag:s26] =	ssyncset.done $0x0  }
0xb3: {  	[sflag:s26] =	ssyncadd.s32 $0xFFFFE0C0  }
0xb4: {  	_ =	swait.ge [sflag:s24], $0x1F40  }
0xb5: {  	[sflag:s24] =	ssyncset.done $0x0  }
0xb6: {  	[sflag:s24] =	ssyncadd.s32 $0xFFFFE0C0  }
0xb7: {  	s10 =	stileid.u32;
	_ =	swait.ge [sflag:s25], $0x1F40  }
0xb8: {  	s6 =	sadd.s32 $0x1, s6;
	s8 =	sshll.u32 s10, $0x6;
	[sflag:s25] =	ssyncset.done $0x0  }
0xb9: {  	p1 =	sne.s32 s6, s18;
	s8 =	sor.u32 $0x1C08, s8;
	[sflag:s25] =	ssyncadd.s32 $0xFFFFE0C0  }
.Ltmp2:
0xba: {  	s11 =	sshrl.u32 s9, $0x3;
	[bflag:$0x0] =	sbarrier.arrive $0xFFFF;
	(pc) =	sbr.rel @p1 .LBB2_1-.Ltmp2, $4  }
0xbb: {  	[hbm:s17], [sflag:s8] =	dma.local [spmem:s11], $0x1400  }
0xbc: {  	_ =	swait.ge [sflag:s5], $0x1400  }
0xbd: {  	[sflag:s5] =	ssyncset.done $0x0  }
0xbe: {  	[sflag:s5] =	ssyncadd.s32 $0xFFFFEC00  }
0xbf: {  	_ =	sfence.sel $0x180000  }
0xc0: {  	[bflag:$0x0] =	sbarrier.arrive $0xFFFF  }
0xc1: {  	_ =	strace $0x9000004A  }
0xc2: {  	s0 =	stileid.u32;
	[bflag:$0x2] =	sbarrier.arrive $0xFFFF  }
0xc3: {  	p0 =	sne.s32 s0, $0x0;
	s0 =	rddreg [dreg:$0x4]  }
0xc4: {  	s0 =	sadd.s32 @!p0 $0x100000, s0  }
0xc5: {  	[sflag:s0] =	ssyncadd.tile.s32 @!p0 $0x1;
	_ =	shalt  }
.Lfunc_end2:
_tile_overlayer_lowered:
.L_overlay_start_2:
0xc6: {  	(tag) =	ssettag $0x2  }
0xc7: {  	s0 =	rddreg [dreg:$0x0];
	s2 =	stileid.u32  }
0xc8: {  	s1 =	rddreg [dreg:$0x1];
	p0 =	sne.s32 s2, $0x0  }
0xc9: {  	s3 =	rddreg [dreg:$0x2];
	[bflag:$0x3] =	sbarrier.arrive $0xFFFF;
	s2 =	simm.s32 @!p0 $0x1C08  }
0xca: {  	[timem:s3], [sflag:s2] =	dma.local @!p0 [hbm:s0], s1  }
0xcb: {  	s0 =	simm.s32 @!p0 $0x8  }
0xcc: {  	_ =	swait.ge @!p0 [sflag:s0], s1  }
0xcd: {  	s1 =	ssub.s32 @!p0 $0x0, s1;
	[sflag:s0] =	ssyncset.done @!p0 $0x0  }
0xce: {  	[sflag:s0] =	ssyncadd.s32 @!p0 s1  }
0xcf: {  	[bflag:$0x3] =	sbarrier.arrive $0xFFFF  }
0xd0: {  	_ =	shalt  }

// kernel: kernel.7.cloned.1.call-start
scs
__scs_entry_jumppad:
0x0: {  	(pc) =	sbr.rel $0x88, $3  }
0x1: {  	(tag) =	ssettag $0x0;
	lr =	simm.s32 $0x1  }
0x2: {  	[smem:$0x3F9B] =	sst lr;
	_ =	strace $0xD0000000  }
0x3: {  	_ = 	snop  }
0x4: {  	_ = 	snop  }
0x5: {  	_ = 	snop  }
0x6: {  	_ = 	snop  }
0x7: {  	_ = 	snop  }
__scs_overlays_trampoline_lowered:
0x8: {  	[smem:$0x3FAA] =	sst s0  }
0x9: {  	[smem:$0x3FAB] =	sst s1  }
0xa: {  	[smem:$0x3FAC] =	sst s2  }
0xb: {  	[smem:$0x3FAD] =	sst s3  }
0xc: {  	[smem:$0x3FAE] =	sst s4  }
0xd: {  	[smem:$0x3FAF] =	sst s5  }
0xe: {  	[smem:$0x3FB0] =	sst s6  }
0xf: {  	[smem:$0x3FB1] =	sst s7  }
0x10: {  	[smem:$0x3FB2] =	sst s8  }
0x11: {  	[smem:$0x3FB3] =	sst s9;
	s0 =	simm.s32 @!p0 $0x0  }
0x12: {  	s1 =	sld [smem:$0x3F99];
	s0 =	simm.s32 @p0 $0x1  }
0x13: {  	[smem:$0x3FB4] =	sst s0;
	s0 =	simm.s32 @!p1 $0x0  }
0x14: {  	s2 =	sld [smem:$0x3F98];
	s0 =	simm.s32 @p1 $0x1  }
0x15: {  	[smem:$0x3FB5] =	sst s0;
	s0 =	simm.s32 @!p2 $0x0  }
0x16: {  	s3 =	sld [smem:$0x3FDB];
	s0 =	simm.s32 @p2 $0x1  }
0x17: {  	s4 =	simm.s32 $0x1BF5;
	[smem:$0x3FB7] =	sst s0  }
0x18: {  	s0 =	sld [smem:$0x3F9A];
	_ =	swait.ge [sflag:s4], $0x0  }
0x19: {  	s7 =	sld [smem:$0x3F9B]  }
0x1a: {  	s8 =	sadd.s32 $0xFFFFE003, lr  }
0x1b: {  	s9 =	sadd.s32 $0xFFFFFEF7, lr;
	s5 =	simm.s32 $0xFFFFFFFF;
	p2 =	slt.u32 s8, $0xFFFFF086  }
0x1c: {  	p1 =	slt.u32 s9, $0xF7A;
	s5 =	simm.s32 @!p2 $0x0  }
0x1d: {  	s5 =	simm.s32 @p1 $0x1;
	p0 =	seq.s32 s7, s2  }
0x1e: {  	s7 =	smul.u32 @!p0 $0xF7A, s2;
	p2 =	seq.s32 @!p0 s5, $0x0  }
0x1f: {  	s9 =	smul.u32 $0xF7A, s1;
	s8 =	simm.s32 @!p0 $0x1BF5;
	p2 =	por !p2, p0  }
0x20: {  	[sflag:s8] =	ssyncset.s32 @!p0 $0xFFFFF086;
	s6 =	sadd.s32 @!p0 s3, s7;
	s7 =	simm.s32 @!p0 $0x108  }
0x21: {  	s3 =	sadd.s32 s3, s9;
	s6 =	sadd.s32 @!p0 $0x88, s6;
	s7 =	simm.s32 @p2 $0x1082  }
0x22: {  	[simem:s7], [sflag:s8] =	dma.local @!p0 [hbm:s6], $0xF7A  }
0x23: {  	s9 =	sor.u32 $0xD0000000, s2;
	s6 =	simm.s32 $0x108;
	_ =	swait.ge @!p0 [sflag:s8], $0x0  }
0x24: {  	s3 =	sadd.s32 $0x88, s3;
	s6 =	simm.s32 @!p1 $0x1082;
	[sflag:s4] =	ssyncset.s32 $0xFFFFF086  }
0x25: {  	[simem:s6], [sflag:s4] =	dma.local [hbm:s3], $0xF7A  }
0x26: {  	[smem:$0x3F9B] =	sst s1;
	(tag) =	ssettag s2;
	_ =	strace s9  }
0x27: {  	s1 =	sld [smem:$0x3FAB]  }
0x28: {  	s2 =	sld [smem:$0x3FAC]  }
0x29: {  	s4 =	sld [smem:$0x3FAE]  }
0x2a: {  	p0 =	seq.s32 s5, $0x0;
	s5 =	sld [smem:$0x3FAF]  }
0x2b: {  	s6 =	sld [smem:$0x3FB0]  }
0x2c: {  	s7 =	sld [smem:$0x3FB1]  }
0x2d: {  	s3 =	simm.s32 $0x108;
	s8 =	sld [smem:$0x3FB2]  }
0x2e: {  	s3 =	simm.s32 @!p0 $0x1082;
	s9 =	sld [smem:$0x3FB3]  }
0x2f: {  	lr =	sadd.s32 s0, s3;
	s0 =	sld [smem:$0x3FAA]  }
0x30: {  	s3 =	sld [smem:$0x3FAD]  }
0x31: {  	[smem:$0x3FB6] =	sst s10  }
0x32: {  	s10 =	sld [smem:$0x3FB4];
	_ =	sdelay $0x3  }
0x33: {  	p0 =	seq.s32 s10, $0x1;
	s10 =	sld [smem:$0x3FB6];
	_ =	sdelay $0x3  }
0x34: {  	[smem:$0x3FB6] =	sst s10  }
0x35: {  	s10 =	sld [smem:$0x3FB5];
	_ =	sdelay $0x3  }
0x36: {  	p1 =	seq.s32 s10, $0x1;
	s10 =	sld [smem:$0x3FB6];
	_ =	sdelay $0x3  }
0x37: {  	[smem:$0x3FB6] =	sst s10  }
0x38: {  	s10 =	sld [smem:$0x3FB7]  }
0x39: {  	_ = 	snop;
	(pc) =	sbr.ind lr, $3  }
0x3a: {  	_ = 	snop  }
0x3b: {  	_ = 	snop  }
0x3c: {  	p2 =	seq.s32 s10, $0x1;
	s10 =	sld [smem:$0x3FB6]  }
0x3d: {  	_ =	shalt  }
0x3e: {  	_ =	shalt  }
0x3f: {  	_ =	shalt  }
0x40: {  	_ =	shalt  }
0x41: {  	_ =	shalt  }
0x42: {  	_ =	shalt  }
0x43: {  	_ =	shalt  }
0x44: {  	_ =	shalt  }
0x45: {  	_ =	shalt  }
0x46: {  	_ =	shalt  }
0x47: {  	_ =	shalt  }
0x48: {  	_ =	shalt  }
0x49: {  	_ =	shalt  }
0x4a: {  	_ =	shalt  }
0x4b: {  	_ =	shalt  }
0x4c: {  	_ =	shalt  }
0x4d: {  	_ =	shalt  }
0x4e: {  	_ =	shalt  }
0x4f: {  	_ =	shalt  }
0x50: {  	_ =	shalt  }
0x51: {  	_ =	shalt  }
0x52: {  	_ =	shalt  }
0x53: {  	_ =	shalt  }
0x54: {  	_ =	shalt  }
0x55: {  	_ =	shalt  }
0x56: {  	_ =	shalt  }
0x57: {  	_ =	shalt  }
0x58: {  	_ =	shalt  }
0x59: {  	_ =	shalt  }
0x5a: {  	_ =	shalt  }
0x5b: {  	_ =	shalt  }
0x5c: {  	_ =	shalt  }
0x5d: {  	_ =	shalt  }
0x5e: {  	_ =	shalt  }
0x5f: {  	_ =	shalt  }
0x60: {  	_ =	shalt  }
0x61: {  	_ =	shalt  }
0x62: {  	_ =	shalt  }
0x63: {  	_ =	shalt  }
0x64: {  	_ =	shalt  }
0x65: {  	_ =	shalt  }
0x66: {  	_ =	shalt  }
0x67: {  	_ =	shalt  }
0x68: {  	_ =	shalt  }
0x69: {  	_ =	shalt  }
0x6a: {  	_ =	shalt  }
0x6b: {  	_ =	shalt  }
0x6c: {  	_ =	shalt  }
0x6d: {  	_ =	shalt  }
0x6e: {  	_ =	shalt  }
0x6f: {  	_ =	shalt  }
0x70: {  	_ =	shalt  }
0x71: {  	_ =	shalt  }
0x72: {  	_ =	shalt  }
0x73: {  	_ =	shalt  }
0x74: {  	_ =	shalt  }
0x75: {  	_ =	shalt  }
0x76: {  	_ =	shalt  }
0x77: {  	_ =	shalt  }
0x78: {  	_ =	shalt  }
0x79: {  	_ =	shalt  }
0x7a: {  	_ =	shalt  }
0x7b: {  	_ =	shalt  }
0x7c: {  	_ =	shalt  }
0x7d: {  	_ =	shalt  }
0x7e: {  	_ =	shalt  }
0x7f: {  	_ =	shalt  }
0x80: {  	_ =	shalt  }
0x81: {  	_ =	shalt  }
0x82: {  	_ =	shalt  }
0x83: {  	_ =	shalt  }
0x84: {  	_ =	shalt  }
0x85: {  	_ =	shalt  }
0x86: {  	_ =	shalt  }
0x87: {  	_ =	shalt  }
.Lfunc_end0:
.L_simem_size_0:
called_computation_lowered:
.L_overlay_start_0:
0x88: {  	s2 =	sld [smem:$0x3FD9]  }
0x89: {  	s3 =	sld [smem:$0x3FFE];
	_ =	sdelay $0x1  }
0x8a: {  	s1 =	srdreg.scid  }
0x8b: {  	s0 =	sand.u32 $0x1, s1  }
0x8c: {  	s17 =	sshll.u32 s0, $0xA;
	s2 =	sadd.s32 s3, s2  }
0x8d: {  	s2 =	sadd.s32 s2, s17  }
0x8e: {  	[smem:$0x3FC2] =	sst s2  }
0x8f: {  	_ = 	snop  }
0x90: {  	s2 =	sld [smem:$0x3FD0];
	(tm) =	ssettm $0x1  }
0x91: {  	s18 =	sld [smem:$0x3FFB];
	_ =	sdelay $0x3  }
0x92: {  	_ =	strace s18  }
0x93: {  	s3 =	sld [smem:$0x3FFC];
	_ =	sdelay $0x3  }
0x94: {  	_ =	strace s3  }
0x95: {  	s3 =	sld [smem:$0x3FFD];
	_ =	sdelay $0x3  }
0x96: {  	_ =	strace s3  }
0x97: {  	_ =	strace $0x8FFFFFFF  }
0x98: {  	s19 =	sld [smem:$0x3FDB];
	_ =	sdelay $0x1  }
0x99: {  	s4 =	simm.s32 $_scs_section_size  }
0x9a: {  	s5 =	simm.s32 $_size__tile_overlayer_lowered;
	s6 =	simm.s32 $_tile_overlayer_lowered  }
0x9b: {  	s22 =	simm.s32 $0x1BFF;
	s21 =	sshll.u32 s6, $0x1;
	s3 =	sadd.s32 s4, s19  }
0x9c: {  	s7 =	simm.s32 $0x0;
	s20 =	sshll.u32 s5, $0x1;
	s5 =	sadd.s32 s21, s3  }
0x9d: {  	[timem:s7], [sflag:s22] =	dma.local [hbm:s5], s20  }
0x9e: {  	_ =	swait.ge [sflag:s22], s20  }
0x9f: {  	s4 =	ssub.s32 $0x0, s20;
	[sflag:s22] =	ssyncset.done $0x0  }
0xa0: {  	[sflag:s22] =	ssyncadd.s32 s4;
	_ =	sdelay $0x1  }
0xa1: {  	s23 =	simm.s32 $0x1B8B  }
0xa2: {  	_ =	swait.ge [sflag:s23], $0x1  }
0xa3: {  	[sflag:s23] =	ssyncset.done $0x0  }
0xa4: {  	s25 =	simm.s32 $0x1B8E;
	s24 =	sld [smem:$0x3FFE];
	[sflag:s23] =	ssyncadd.s32 $0xFFFFFFFF  }
0xa5: {  	s26 =	simm.s32 $execute0_lowered;
	[smem:$0x3FD2] =	sst s25  }
0xa6: {  	s5 =	sshll.u32 s26, $0x1;
	_ =	strace $0x80000046;
	[dreg:$0x1] =	wrdreg $0xFFFFFFFF  }
0xa7: {  	s28 =	simm.s32 $_size_execute0_lowered;
	s3 =	sadd.s32 s3, s5;
	[dreg:$0x0] =	wrdreg $0x0  }
0xa8: {  	s5 =	sshll.u32 s28, $0x1;
	[dreg:$0x2] =	wrdreg s3  }
0xa9: {  	[dreg:$0x3] =	wrdreg s5  }
0xaa: {  	[dreg:$0x4] =	wrdreg $0xC0  }
0xab: {  	_ =	task [dreg:s7], $0x5FFFF  }
0xac: {  	[dreg:$0x1] =	wrdreg $0xFFFFFFFF  }
0xad: {  	[dreg:$0x0] =	wrdreg $0x60  }
0xae: {  	[dreg:$0x2] =	wrdreg s24  }
0xaf: {  	[dreg:$0x3] =	wrdreg s2  }
0xb0: {  	[dreg:$0x4] =	wrdreg $0x161C00  }
0xb1: {  	[dreg:$0x5] =	wrdreg $0xC1C00  }
0xb2: {  	[dreg:$0x6] =	wrdreg $0x9  }
0xb3: {  	_ =	task.clear_ibuf [dreg:s7], $0x7FFFF;
	_ =	strace $0x90000046  }
0xb4: {  	s29 =	simm.s32 $0x9;
	_ =	strace $0x80000048  }
0xb5: {  	_ =	swait.ge [sflag:s29], $0x1  }
0xb6: {  	[sflag:s29] =	ssyncadd.s32 $0xFFFFFFFF  }
0xb7: {  	_ =	strace $0x90000048  }
0xb8: {  	_ =	sfence  }
0xb9: {  	s30 =	sld [smem:$0x0];
	_ =	sdelay $0x2  }
0xba: {  	s31 =	sshll.u32 s1, $0xD;
	s1 =	sshrl.u32 s1, $0x2  }
0xbb: {  	s3 =	sand.u32 $0x4000, s31;
	s1 =	sadd.s32 s1, s30  }
0xbc: {  	s0 =	sor.u32 s3, s0;
	s1 =	sshll.u32 s1, $0x11  }
0xbd: {  	s0 =	sor.u32 s1, s0  }
0xbe: {  	s0 =	sadd.s32 $0x8F2B, s0  }
0xbf: {  	[sflag:s0] =	ssyncadd.remote.s32 $0x1  }
0xc0: {  	_ =	sfence.sel $0xFFFF  }
0xc1: {  	[dreg:$0x0] =	wrdreg $0xFFFFFFFF;
	(pc) =	sbr.abs _section_cstart, $3  }
0xc2: {  	[dreg:$0x1] =	wrdreg $0xFFFFFFFF  }
0xc3: {  	_ =	task.clear_ibuf [dreg:s7], $0x2FFFF;
	_ =	strace $0x9FFFFFFF  }
0xc4: {  	(tm) =	ssettm $0x7FFFFFFF  }
0xc5: {  	_ =	shalt  }
tec
execute0_lowered:
.L_overlay_start_1:
0x0: {  	(tag) =	ssettag $0x1  }
0x1: {  	s0 =	rddreg [dreg:$0x0]  }
0x2: {  	s1 =	rddreg [dreg:$0x1]  }
0x3: {  	s2 =	rddreg [dreg:$0x2]  }
0x4: {  	s3 =	rddreg [dreg:$0x3]  }
0x5: {  	s11 =	stileid.u32;
	s4 =	srdreg.scid;
	s6 =	simm.s32 $0x0  }
0x6: {  	s28 =	simm.s32 $0x1;
	s29 =	simm.s32 $0x2;
	s30 =	simm.s32 $0x7D  }
0x7: {  	s31 =	simm.s32 $0x5000;
	s5 =	smul.u32 $0xA000, s11;
	s4 =	sand.u32 $0x1, s4  }
0x8: {  	[smem:$0x7FF] =	sst s6;
	s22 =	smul.u32 $0x28000, s11;
	s19 =	sadd.s32 $0x96000, s2  }
0x9: {  	p0 =	seq.s32 s11, $0xF;
	s21 =	smul.u32 $0xA0000, s4;
	_ =	strace $0x80000047  }
0xa: {  	s8 =	sshll.u32 s4, $0x4;
	s4 =	ssub.s32 $0x2, s4;
	s19 =	sshrl.u32 @p0 s19, $0x3  }
0xb: {  	s7 =	sshrl.u32 s5, $0x3;
	s8 =	sor.u32 s11, s8;
	s9 =	sshrl.u32 s4, $0x1  }
0xc: {  	s10 =	sadd.s32 s5, s2;
	s24 =	sshrl.u32 s22, $0x2;
	s22 =	simm.s32 $0x2800  }
0xd: {  	s7 =	sadd.s32 s7, s0;
	s6 =	sadd.s32 s5, s21;
	s8 =	smul.u32 $0x2800, s8  }
0xe: {  	s4 =	ssub.s32 s4, s9;
	s9 =	sadd.s32 s5, s3;
	s21 =	sshrl.u32 @!p0 s10, $0x3  }
0xf: {  	s5 =	simm.s32 $0x8;
	s6 =	sshrl.u32 s6, $0x3;
	s7 =	sadd.s32 $0x1C00, s7  }
0x10: {  	s18 =	smax.u32 s4, $0x1;
	s4 =	simm.s32 $0x3;
	s6 =	sadd.s32 s6, s0  }
0x11: {  	[dreg:$0x5] =	wrdreg s7;
	s23 =	sshrl.u32 s8, $0x3;
	s0 =	sadd.s32 $0x14800, s0  }
0x12: {  	[dreg:$0x6] =	wrdreg s0;
	s7 =	sadd.s32 s1, s23;
	s0 =	sadd.s32 s24, s3  }
0x13: {  	s17 =	sadd.s32 $0x15600, s6;
	s23 =	simm.s32 $0xADC0;
	s24 =	simm.s32 $0x4  }
0x14: {  	s6 =	simm.s32 $0x0;
	s1 =	sadd.s32 $0xA000, s7;
	s25 =	sadd.s32 $0x1400, s0  }
0x15: {  	s26 =	sadd.s32 $0x2800, s0;
	s12 =	sadd.s32 $0x3C00, s0;
	s13 =	sadd.s32 $0x5000, s0  }
0x16: {  	s14 =	sadd.s32 $0x6400, s0;
	s15 =	sadd.s32 $0x7800, s0;
	[dreg:$0x7] =	wrdreg s1  }
0x17: {  	s16 =	sadd.s32 $0x8C00, s0;
	s0 =	sshll.u32 @!p0 s11, $0x6;
	[dreg:$0x8] =	wrdreg s25  }
0x18: {  	[dreg:$0x9] =	wrdreg s26;
	s20 =	sor.u32 @!p0 $0x1C07, s0;
	s25 =	simm.s32 $0x5  }
0x19: {  	v0 =	vimm.f32 $0.0e+00;
	s26 =	simm.s32 $0x6;
	s1 =	simm.s32 $0x6F40;
	s0 =	simm.s32 $0x8E80  }
.LBB2_1:
0x1a: {  	s8 =	simm.s32 @p0 $0x1FC7;
	s10 =	rddreg [dreg:$0x6]  }
0x1b: {  	[spmem:s19], [sflag:s8] =	dma.local @p0 [hbm:s10], $0xC80  }
0x1c: {  	s10 =	simm.s32 $0x0;
	s8 =	rddreg [dreg:$0x5]  }
0x1d: {  	[spmem:s21], [sflag:s20] =	dma.local @!p0 [hbm:s8], $0x1400  }
0x1e: {  	[tilespmem:s10], [sflag:$0x1] =	stream.linear.gather [hbm4b:s7+s10], $0x2800, $0x38;
	[tilespmem:$0x1FE00] =	vst v63  }
0x1f: {  	s11 =	rddreg [dreg:$0x7]  }
0x20: {  	[tilespmem:s22], [sflag:$0x2] =	stream.linear.gather [hbm4b:s11+s10], $0x2800, $0x38;
	[tilespmem:$0x1FE00] =	vst v63  }
0x21: {  	s8 =	simm.s32 $0x0;
	s10 =	simm.s32 $0x100  }
.LBB2_2:
0x22: {  	p1 =	sne.s32 s10, $0x4F00;
	[tilespmem:s8+$0xADF0] =	vst v0;
	s11 =	smov.u32 s10;
	s10 =	sadd.s32 $0x100, s10  }
.Ltmp0:
0x23: {  	[tilespmem:s8+$0xADE0] =	vst v0;
	(pc) =	sbr.rel @p1 .LBB2_2-.Ltmp0, $3  }
0x24: {  	[tilespmem:s8+$0xADC0] =	vst v0  }
0x25: {  	[tilespmem:s8+$0xADD0] =	vst v0;
	_ =	sdelay $0x1  }
0x26: {  	s8 =	sshra.s32 s11, $0x2  }
0x27: {  	[tilespmem:s8+$0xADF0] =	vst v0  }
0x28: {  	[tilespmem:s8+$0xADE0] =	vst v0  }
0x29: {  	[tilespmem:s8+$0xADC0] =	vst v0  }
0x2a: {  	[tilespmem:s8+$0xADD0] =	vst v0  }
0x2b: {  	[spmem:s9] =	stream.linear.scatter [tilespmem:s23], [sflag:$0x4], $0x1400, $0x38;
	[tilespmem:$0x1FE00] =	vst v63  }
0x2c: {  	s10 =	rddreg [dreg:$0x8]  }
0x2d: {  	[spmem:s10] =	stream.linear.scatter [tilespmem:s23], [sflag:$0x5], $0x1400, $0x38;
	[tilespmem:$0x1FE00] =	vst v63  }
0x2e: {  	s11 =	rddreg [dreg:$0x9]  }
0x2f: {  	[spmem:s11] =	stream.linear.scatter [tilespmem:s23], [sflag:$0x6], $0x1400, $0x38;
	[tilespmem:$0x1FE00] =	vst v63  }
0x30: {  	_ = 	snop  }
0x31: {  	[spmem:s12] =	stream.linear.scatter [tilespmem:s23], [sflag:$0x4], $0x1400, $0x38;
	[tilespmem:$0x1FE00] =	vst v63  }
0x32: {  	_ = 	snop  }
0x33: {  	[spmem:s13] =	stream.linear.scatter [tilespmem:s23], [sflag:$0x5], $0x1400, $0x38;
	[tilespmem:$0x1FE00] =	vst v63  }
0x34: {  	_ = 	snop  }
0x35: {  	[spmem:s14] =	stream.linear.scatter [tilespmem:s23], [sflag:$0x6], $0x1400, $0x38;
	[tilespmem:$0x1FE00] =	vst v63  }
0x36: {  	_ = 	snop  }
0x37: {  	[spmem:s15] =	stream.linear.scatter [tilespmem:s23], [sflag:$0x4], $0x1400, $0x38;
	[tilespmem:$0x1FE00] =	vst v63  }
0x38: {  	_ = 	snop  }
0x39: {  	[spmem:s16] =	stream.linear.scatter [tilespmem:s23], [sflag:$0x5], $0x1400, $0x38;
	[tilespmem:$0x1FE00] =	vst v63  }
0x3a: {  	_ =	swait.ge [sflag:s24], $0x1400  }
0x3b: {  	[sflag:s24] =	ssyncset.done $0x0  }
0x3c: {  	[sflag:s24] =	ssyncadd.s32 $0xFFFFEC00  }
0x3d: {  	_ =	swait.ge [sflag:s25], $0x1400  }
0x3e: {  	[sflag:s25] =	ssyncset.done $0x0  }
0x3f: {  	[sflag:s25] =	ssyncadd.s32 $0xFFFFEC00  }
0x40: {  	_ =	swait.ge [sflag:s26], $0x1400  }
0x41: {  	[sflag:s26] =	ssyncset.done $0x0  }
0x42: {  	[sflag:s26] =	ssyncadd.s32 $0xFFFFEC00  }
0x43: {  	_ =	swait.ge [sflag:s24], $0x1400  }
0x44: {  	[sflag:s24] =	ssyncset.done $0x0  }
0x45: {  	[sflag:s24] =	ssyncadd.s32 $0xFFFFEC00  }
0x46: {  	_ =	swait.ge [sflag:s25], $0x1400  }
0x47: {  	[sflag:s25] =	ssyncset.done $0x0  }
0x48: {  	[sflag:s25] =	ssyncadd.s32 $0xFFFFEC00  }
0x49: {  	_ =	swait.ge [sflag:s26], $0x1400  }
0x4a: {  	[sflag:s26] =	ssyncset.done $0x0  }
0x4b: {  	[sflag:s26] =	ssyncadd.s32 $0xFFFFEC00  }
0x4c: {  	_ =	swait.ge [sflag:s24], $0x1400  }
0x4d: {  	[sflag:s24] =	ssyncset.done $0x0  }
0x4e: {  	[sflag:s24] =	ssyncadd.s32 $0xFFFFEC00  }
0x4f: {  	_ =	swait.ge [sflag:s25], $0x1400  }
0x50: {  	[sflag:s25] =	ssyncset.done $0x0  }
0x51: {  	[sflag:s25] =	ssyncadd.s32 $0xFFFFEC00  }
0x52: {  	_ =	swait.ge [sflag:s28], $0x2800  }
0x53: {  	[sflag:s28] =	ssyncset.done $0x0  }
0x54: {  	[sflag:s28] =	ssyncadd.s32 $0xFFFFD800  }
0x55: {  	_ =	swait.ge [sflag:s29], $0x2800  }
0x56: {  	[sflag:s29] =	ssyncset.done $0x0  }
0x57: {  	s8 =	simm.s32 @p0 $0x7;
	[sflag:s29] =	ssyncadd.s32 $0xFFFFD800  }
0x58: {  	_ =	swait.ge @p0 [sflag:s8], $0xC80  }
0x59: {  	[sflag:s8] =	ssyncset.done @p0 $0x0  }
0x5a: {  	[sflag:s8] =	ssyncadd.s32 @p0 $0xFFFFF380;
	s8 =	simm.s32 @!p0 $0x7  }
0x5b: {  	_ =	swait.ge @!p0 [sflag:s8], $0x1400  }
0x5c: {  	[sflag:s8] =	ssyncset.done @!p0 $0x0  }
0x5d: {  	[sflag:s8] =	ssyncadd.s32 @!p0 $0xFFFFEC00  }
0x5e: {  	s10 =	simm.s32 $0x0;
	[bflag:$0x0] =	sbarrier.arrive $0xFFFF  }
0x5f: {  	[tilespmem:s31], [sflag:$0x1] =	stream.indirect.gather [spmem:s2], $0x40, s10, s30, $0xb8;
	[tilespmem:$0x1FE00] =	vst v63  }
0x60: {  	s11 =	simm.s32 $0x80  }
0x61: {  	[tilespmem:s1], [sflag:$0x2] =	stream.indirect.gather [spmem:s2], $0x40, s11, s30, $0xb8;
	[tilespmem:$0x1FE00] =	vst v63  }
0x62: {  	s10 =	simm.s32 $0x100  }
0x63: {  	[tilespmem:s0], [sflag:$0x3] =	stream.indirect.gather [spmem:s2], $0x40, s10, s30, $0xb8;
	[tilespmem:$0x1FE00] =	vst v63  }
0x64: {  	_ =	swait.ge [sflag:s28], $0x1F40  }
0x65: {  	[sflag:s28] =	ssyncset.done $0x0  }
0x66: {  	[sflag:s28] =	ssyncadd.s32 $0xFFFFE0C0  }
0x67: {  	[spmem:s3] =	stream.indirect.scatter.add.f32 [tilespmem:s31], [sflag:$0x4], $0x40, s22, s30, $0xb8;
	[tilespmem:$0x1FE00] =	vst v63  }
0x68: {  	_ =	swait.ge [sflag:s24], $0x1F40  }
0x69: {  	[sflag:s24] =	ssyncset.done $0x0  }
0x6a: {  	s11 =	simm.s32 $0x180;
	[sflag:s24] =	ssyncadd.s32 $0xFFFFE0C0  }
0x6b: {  	[tilespmem:s31], [sflag:$0x1] =	stream.indirect.gather [spmem:s2], $0x40, s11, s30, $0xb8;
	[tilespmem:$0x1FE00] =	vst v63  }
0x6c: {  	_ =	swait.ge [sflag:s29], $0x1F40  }
0x6d: {  	[sflag:s29] =	ssyncset.done $0x0  }
0x6e: {  	s10 =	simm.s32 $0x2880;
	[sflag:s29] =	ssyncadd.s32 $0xFFFFE0C0  }
0x6f: {  	[spmem:s3] =	stream.indirect.scatter.add.f32 [tilespmem:s1], [sflag:$0x5], $0x40, s10, s30, $0xb8;
	[tilespmem:$0x1FE00] =	vst v63  }
0x70: {  	_ =	swait.ge [sflag:s25], $0x1F40  }
0x71: {  	[sflag:s25] =	ssyncset.done $0x0  }
0x72: {  	s11 =	simm.s32 $0x200;
	[sflag:s25] =	ssyncadd.s32 $0xFFFFE0C0  }
0x73: {  	[tilespmem:s1], [sflag:$0x2] =	stream.indirect.gather [spmem:s2], $0x40, s11, s30, $0xb8;
	[tilespmem:$0x1FE00] =	vst v63  }
0x74: {  	_ =	swait.ge [sflag:s4], $0x1F40  }
0x75: {  	[sflag:s4] =	ssyncset.done $0x0  }
0x76: {  	s10 =	simm.s32 $0x2900;
	[sflag:s4] =	ssyncadd.s32 $0xFFFFE0C0  }
0x77: {  	[spmem:s3] =	stream.indirect.scatter.add.f32 [tilespmem:s0], [sflag:$0x6], $0x40, s10, s30, $0xb8;
	[tilespmem:$0x1FE00] =	vst v63  }
0x78: {  	_ =	swait.ge [sflag:s26], $0x1F40  }
0x79: {  	[sflag:s26] =	ssyncset.done $0x0  }
0x7a: {  	s11 =	simm.s32 $0x280;
	[sflag:s26] =	ssyncadd.s32 $0xFFFFE0C0  }
0x7b: {  	[tilespmem:s0], [sflag:$0x3] =	stream.indirect.gather [spmem:s2], $0x40, s11, s30, $0xb8;
	[tilespmem:$0x1FE00] =	vst v63  }
0x7c: {  	_ =	swait.ge [sflag:s28], $0x1F40  }
0x7d: {  	[sflag:s28] =	ssyncset.done $0x0  }
0x7e: {  	s10 =	simm.s32 $0x2980;
	[sflag:s28] =	ssyncadd.s32 $0xFFFFE0C0  }
0x7f: {  	[spmem:s3] =	stream.indirect.scatter.add.f32 [tilespmem:s31], [sflag:$0x4], $0x40, s10, s30, $0xb8;
	[tilespmem:$0x1FE00] =	vst v63  }
0x80: {  	_ =	swait.ge [sflag:s24], $0x1F40  }
0x81: {  	[sflag:s24] =	ssyncset.done $0x0  }
0x82: {  	s11 =	simm.s32 $0x300;
	[sflag:s24] =	ssyncadd.s32 $0xFFFFE0C0  }
0x83: {  	[tilespmem:s31], [sflag:$0x1] =	stream.indirect.gather [spmem:s2], $0x40, s11, s30, $0xb8;
	[tilespmem:$0x1FE00] =	vst v63  }
0x84: {  	_ =	swait.ge [sflag:s29], $0x1F40  }
0x85: {  	[sflag:s29] =	ssyncset.done $0x0  }
0x86: {  	s10 =	simm.s32 $0x2A00;
	[sflag:s29] =	ssyncadd.s32 $0xFFFFE0C0  }
0x87: {  	[spmem:s3] =	stream.indirect.scatter.add.f32 [tilespmem:s1], [sflag:$0x5], $0x40, s10, s30, $0xb8;
	[tilespmem:$0x1FE00] =	vst v63  }
0x88: {  	_ =	swait.ge [sflag:s25], $0x1F40  }
0x89: {  	[sflag:s25] =	ssyncset.done $0x0  }
0x8a: {  	s11 =	simm.s32 $0x380;
	[sflag:s25] =	ssyncadd.s32 $0xFFFFE0C0  }
0x8b: {  	[tilespmem:s1], [sflag:$0x2] =	stream.indirect.gather [spmem:s2], $0x40, s11, s30, $0xb8;
	[tilespmem:$0x1FE00] =	vst v63  }
0x8c: {  	_ =	swait.ge [sflag:s4], $0x1F40  }
0x8d: {  	[sflag:s4] =	ssyncset.done $0x0  }
0x8e: {  	s8 =	simm.s32 $0x600;
	s10 =	simm.s32 $0x2A80;
	[sflag:s4] =	ssyncadd.s32 $0xFFFFE0C0  }
.LBB2_4:
0x8f: {  	[spmem:s3] =	stream.indirect.scatter.add.f32 [tilespmem:s0], [sflag:$0x6], $0x40, s10, s30, $0xb8;
	[tilespmem:$0x1FE00] =	vst v63  }
0x90: {  	s10 =	smov.u32 s8  }
0x91: {  	p1 =	sne.s32 s8, $0x9000;
	s8 =	sadd.s32 $0x600, s8;
	_ =	swait.ge [sflag:s26], $0x1F40  }
0x92: {  	s10 =	sshra.s32 s10, $0x2;
	[sflag:s26] =	ssyncset.done $0x0  }
0x93: {  	s11 =	sadd.s32 $0x280, s10;
	[sflag:s26] =	ssyncadd.s32 $0xFFFFE0C0  }
0x94: {  	[tilespmem:s0], [sflag:$0x3] =	stream.indirect.gather [spmem:s2], $0x40, s11, s30, $0xb8;
	[tilespmem:$0x1FE00] =	vst v63  }
0x95: {  	_ =	swait.ge [sflag:s28], $0x1F40  }
0x96: {  	[sflag:s28] =	ssyncset.done $0x0  }
0x97: {  	s11 =	sadd.s32 $0x2980, s10;
	[sflag:s28] =	ssyncadd.s32 $0xFFFFE0C0  }
0x98: {  	[spmem:s3] =	stream.indirect.scatter.add.f32 [tilespmem:s31], [sflag:$0x4], $0x40, s11, s30, $0xb8;
	[tilespmem:$0x1FE00] =	vst v63  }
0x99: {  	_ =	swait.ge [sflag:s24], $0x1F40  }
0x9a: {  	[sflag:s24] =	ssyncset.done $0x0  }
0x9b: {  	s11 =	sadd.s32 $0x300, s10;
	[sflag:s24] =	ssyncadd.s32 $0xFFFFE0C0  }
0x9c: {  	[tilespmem:s31], [sflag:$0x1] =	stream.indirect.gather [spmem:s2], $0x40, s11, s30, $0xb8;
	[tilespmem:$0x1FE00] =	vst v63  }
0x9d: {  	_ =	swait.ge [sflag:s29], $0x1F40  }
0x9e: {  	[sflag:s29] =	ssyncset.done $0x0  }
0x9f: {  	s11 =	sadd.s32 $0x2A00, s10;
	[sflag:s29] =	ssyncadd.s32 $0xFFFFE0C0  }
0xa0: {  	[spmem:s3] =	stream.indirect.scatter.add.f32 [tilespmem:s1], [sflag:$0x5], $0x40, s11, s30, $0xb8;
	[tilespmem:$0x1FE00] =	vst v63  }
0xa1: {  	_ =	swait.ge [sflag:s25], $0x1F40  }
0xa2: {  	[sflag:s25] =	ssyncset.done $0x0  }
.Ltmp1:
0xa3: {  	s11 =	sadd.s32 $0x380, s10;
	[sflag:s25] =	ssyncadd.s32 $0xFFFFE0C0;
	(pc) =	sbr.rel @p1 .LBB2_4-.Ltmp1, $4  }
0xa4: {  	[tilespmem:s1], [sflag:$0x2] =	stream.indirect.gather [spmem:s2], $0x40, s11, s30, $0xb8;
	[tilespmem:$0x1FE00] =	vst v63  }
0xa5: {  	_ =	swait.ge [sflag:s4], $0x1F40  }
0xa6: {  	[sflag:s4] =	ssyncset.done $0x0  }
0xa7: {  	s10 =	sadd.s32 $0x2A80, s10;
	[sflag:s4] =	ssyncadd.s32 $0xFFFFE0C0  }
0xa8: {  	[spmem:s3] =	stream.indirect.scatter.add.f32 [tilespmem:s0], [sflag:$0x6], $0x40, s10, s30, $0xb8;
	[tilespmem:$0x1FE00] =	vst v63  }
0xa9: {  	_ =	swait.ge [sflag:s28], $0x1F40  }
0xaa: {  	[sflag:s28] =	ssyncset.done $0x0  }
0xab: {  	s8 =	simm.s32 $0x4F00;
	[sflag:s28] =	ssyncadd.s32 $0xFFFFE0C0  }
0xac: {  	[spmem:s3] =	stream.indirect.scatter.add.f32 [tilespmem:s31], [sflag:$0x4], $0x40, s8, s30, $0xb8;
	[tilespmem:$0x1FE00] =	vst v63  }
0xad: {  	_ =	swait.ge [sflag:s29], $0x1F40  }
0xae: {  	[sflag:s29] =	ssyncset.done $0x0  }
0xaf: {  	s11 =	simm.s32 $0x4F80;
	[sflag:s29] =	ssyncadd.s32 $0xFFFFE0C0  }
0xb0: {  	[spmem:s3] =	stream.indirect.scatter.add.f32 [tilespmem:s1], [sflag:$0x5], $0x40, s11, s30, $0xb8;
	[tilespmem:$0x1FE00] =	vst v63  }
0xb1: {  	_ =	swait.ge [sflag:s26], $0x1F40  }
0xb2: {  	[sflag:s26] =	ssyncset.done $0x0  }
0xb3: {  	[sflag:s26] =	ssyncadd.s32 $0xFFFFE0C0  }
0xb4: {  	_ =	swait.ge [sflag:s24], $0x1F40  }
0xb5: {  	[sflag:s24] =	ssyncset.done $0x0  }
0xb6: {  	[sflag:s24] =	ssyncadd.s32 $0xFFFFE0C0  }
0xb7: {  	s10 =	stileid.u32;
	_ =	swait.ge [sflag:s25], $0x1F40  }
0xb8: {  	s6 =	sadd.s32 $0x1, s6;
	s8 =	sshll.u32 s10, $0x6;
	[sflag:s25] =	ssyncset.done $0x0  }
0xb9: {  	p1 =	sne.s32 s6, s18;
	s8 =	sor.u32 $0x1C08, s8;
	[sflag:s25] =	ssyncadd.s32 $0xFFFFE0C0  }
.Ltmp2:
0xba: {  	s11 =	sshrl.u32 s9, $0x3;
	[bflag:$0x0] =	sbarrier.arrive $0xFFFF;
	(pc) =	sbr.rel @p1 .LBB2_1-.Ltmp2, $4  }
0xbb: {  	[hbm:s17], [sflag:s8] =	dma.local [spmem:s11], $0x1400  }
0xbc: {  	_ =	swait.ge [sflag:s5], $0x1400  }
0xbd: {  	[sflag:s5] =	ssyncset.done $0x0  }
0xbe: {  	[sflag:s5] =	ssyncadd.s32 $0xFFFFEC00  }
0xbf: {  	_ =	sfence.sel $0x180000  }
0xc0: {  	[bflag:$0x0] =	sbarrier.arrive $0xFFFF  }
0xc1: {  	_ =	strace $0x90000047  }
0xc2: {  	s0 =	stileid.u32;
	[bflag:$0x2] =	sbarrier.arrive $0xFFFF  }
0xc3: {  	p0 =	sne.s32 s0, $0x0;
	s0 =	rddreg [dreg:$0x4]  }
0xc4: {  	s0 =	sadd.s32 @!p0 $0x100000, s0  }
0xc5: {  	[sflag:s0] =	ssyncadd.tile.s32 @!p0 $0x1;
	_ =	shalt  }
.Lfunc_end2:
_tile_overlayer_lowered:
.L_overlay_start_2:
0xc6: {  	(tag) =	ssettag $0x2  }
0xc7: {  	s0 =	rddreg [dreg:$0x0];
	s2 =	stileid.u32  }
0xc8: {  	s1 =	rddreg [dreg:$0x1];
	p0 =	sne.s32 s2, $0x0  }
0xc9: {  	s3 =	rddreg [dreg:$0x2];
	[bflag:$0x3] =	sbarrier.arrive $0xFFFF;
	s2 =	simm.s32 @!p0 $0x1C08  }
0xca: {  	[timem:s3], [sflag:s2] =	dma.local @!p0 [hbm:s0], s1  }
0xcb: {  	s0 =	simm.s32 @!p0 $0x8  }
0xcc: {  	_ =	swait.ge @!p0 [sflag:s0], s1  }
0xcd: {  	s1 =	ssub.s32 @!p0 $0x0, s1;
	[sflag:s0] =	ssyncset.done @!p0 $0x0  }
0xce: {  	[sflag:s0] =	ssyncadd.s32 @!p0 s1  }
0xcf: {  	[bflag:$0x3] =	sbarrier.arrive $0xFFFF  }
0xd0: {  	_ =	shalt  }

</sc_bundles>
